<compile_context>
chip_gen: v7x
topology: tpu7x:2x2x1
jax: 0.10.2.dev20260603
libtpu: 0.0.44.dev20260713+nightly
codegen_flags: <defaults>
</compile_context>

<pallas_src>
import functools

import jax
import jax.numpy as jnp
import numpy as np
from jax.experimental import pallas as pl

_B, _L, _K = 2, 2048, 30
_LK = _L * _K
_NUM_PE = 16
_NUM_RBF = 16
_KPAD = 32
_ROWS = 256
_EBLK = 3840
_EPS_N = 1e-12


def _topk_body(xr_ref, xc_ref, dn_ref, ei_ref):
    xr = xr_ref[0]
    xi = xr[:, 0:1]
    yi = xr[:, 1:2]
    zi = xr[:, 2:3]
    xc = xc_ref[0]
    xj = xc[0:1, :]
    yj = xc[1:2, :]
    zj = xc[2:3, :]
    dx = xi - xj
    dy = yi - yj
    dz = zi - zj
    D = jnp.sqrt(dx * dx + dy * dy + dz * dz + 1e-6)
    lane = jax.lax.broadcasted_iota(jnp.int32, D.shape, 1)
    kiota = jax.lax.broadcasted_iota(jnp.int32, (_ROWS, _KPAD), 1)
    vals = jnp.zeros((_ROWS, _KPAD), jnp.float32)
    idxs = jnp.zeros((_ROWS, _KPAD), jnp.int32)
    work = D
    for t in range(_K):
        m = jnp.min(work, axis=1, keepdims=True)
        sel = jnp.where(work == m, lane, _L)
        am = jnp.min(sel, axis=1, keepdims=True)
        vals = jnp.where(kiota == t, m, vals)
        idxs = jnp.where(kiota == t, am, idxs)
        work = jnp.where(lane == am, jnp.float32(np.inf), work)
    dn_ref[0] = vals
    ei_ref[0] = idxs


def _topk_pallas(Xca):
    xr = jnp.pad(Xca, ((0, 0), (0, 0), (0, 1)))
    xc = jnp.pad(jnp.swapaxes(Xca, 1, 2), ((0, 0), (0, 5), (0, 0)))
    grid = (_B, _L // _ROWS)
    return pl.pallas_call(
        _topk_body,
        grid=grid,
        in_specs=[
            pl.BlockSpec((1, _ROWS, 4), lambda b, r: (b, r, 0)),
            pl.BlockSpec((1, 8, _L), lambda b, r: (b, 0, 0)),
        ],
        out_specs=[
            pl.BlockSpec((1, _ROWS, _KPAD), lambda b, r: (b, r, 0)),
            pl.BlockSpec((1, _ROWS, _KPAD), lambda b, r: (b, r, 0)),
        ],
        out_shape=[
            jax.ShapeDtypeStruct((_B, _L, _KPAD), jnp.float32),
            jax.ShapeDtypeStruct((_B, _L, _KPAD), jnp.int32),
        ],
    )(xr, xc)


def _nrm3(vx, vy, vz):
    n = jnp.sqrt(vx * vx + vy * vy + vz * vz)
    inv = 1.0 / jnp.maximum(n, _EPS_N)
    return vx * inv, vy * inv, vz * inv


def _cross(a, b):
    return (
        a[1] * b[2] - a[2] * b[1],
        a[2] * b[0] - a[0] * b[2],
        a[0] * b[1] - a[1] * b[0],
    )


def _node_body(wd_ref, wnt_ref, p2_ref, vt_ref):
    w = [[wd_ref[0, s, c] for c in range(3)] for s in range(4)]
    d = [[w[s + 1][c] - w[s][c] for c in range(3)] for s in range(3)]
    u2 = _nrm3(*d[0])
    u1 = _nrm3(*d[1])
    u0 = _nrm3(*d[2])
    n2 = _nrm3(*_cross(u2, u1))
    n1 = _nrm3(*_cross(u1, u0))
    cosD = n2[0] * n1[0] + n2[1] * n1[1] + n2[2] * n1[2]
    cosD = jnp.clip(cosD, -1.0 + 1e-7, 1.0 - 1e-7)
    sgn = jnp.sign(u2[0] * n1[0] + u2[1] * n1[1] + u2[2] * n1[2])
    lane = jax.lax.broadcasted_iota(jnp.int32, (3, _L), 1)
    frow = jax.lax.broadcasted_iota(jnp.int32, (3, _L), 0)
    invalid = ((lane == 0) & (frow == 0)) | ((lane == _L - 1) & (frow >= 1))
    cosf = jnp.where(invalid, 1.0, cosD)
    sinf = jnp.where(invalid, 0.0, sgn * jnp.sqrt(1.0 - cosD * cosD))
    zrow = jnp.zeros((2, _L), jnp.float32)
    F8 = jnp.concatenate([cosf, sinf, zrow], axis=0)
    vt = jax.lax.dot(
        wnt_ref[...], F8, preferred_element_type=jnp.float32
    )
    bn = p2_ref[:, 0:1]
    gn = p2_ref[:, 1:2]
    gnb = p2_ref[:, 2:3]
    vt = vt + bn
    mu = jnp.mean(vt, axis=0, keepdims=True)
    var = jnp.mean((vt - mu) ** 2, axis=0, keepdims=True)
    vt_ref[0] = (vt - mu) / jnp.sqrt(var + 1e-5) * gn + gnb

def _node_pallas(WD, WnT, P2):
    return pl.pallas_call(
        _node_body,
        grid=(_B,),
        in_specs=[
            pl.BlockSpec((1, 4, 3, 3, _L), lambda b: (b, 0, 0, 0, 0)),
            pl.BlockSpec((128, 8), lambda b: (0, 0)),
            pl.BlockSpec((128, 8), lambda b: (0, 0)),
        ],
        out_specs=pl.BlockSpec((1, 128, _L), lambda b: (b, 0, 0)),
        out_shape=jax.ShapeDtypeStruct((_B, 128, _L), jnp.float32),
    )(WD, WnT, P2)


_FREQ = np.exp(np.arange(0, _NUM_PE, 2, dtype=np.float32) * -(np.log(10000.0) / _NUM_PE))
_DMU = np.linspace(0.0, 20.0, _NUM_RBF).astype(np.float32)
_DSIG = 20.0 / _NUM_RBF


def _edge_body(a_ref, wet_ref, p_ref, et_ref):
    a = a_ref[0]

    def row(i):
        return a[i : i + 1, :]

    OF = a[0:7, :]
    Dn = row(7)
    Eif = row(8)
    iif = row(9)

    dpe = Eif - iif
    i8 = jax.lax.broadcasted_iota(jnp.int32, (8, 1), 0).astype(jnp.float32)
    fr = jnp.exp(i8 * jnp.float32(-2.0 * np.log(10000.0) / _NUM_PE))
    ang = dpe * fr
    pc = jnp.cos(ang)
    ps = jnp.sin(ang)
    i16 = jax.lax.broadcasted_iota(jnp.int32, (16, 1), 0).astype(jnp.float32)
    mu = i16 * jnp.float32(20.0 / (_NUM_RBF - 1))
    rb = jnp.exp(-(((Dn - mu) / _DSIG) ** 2))

    zrow = jnp.zeros((1, a.shape[1]), jnp.float32)
    F = jnp.concatenate([pc, ps, rb, OF, zrow], axis=0)
    et = jax.lax.dot(wet_ref[...], F, preferred_element_type=jnp.float32)
    be = p_ref[:, 0:1]
    ge = p_ref[:, 1:2]
    geb = p_ref[:, 2:3]
    et = et + be
    m = jnp.mean(et, axis=0, keepdims=True)
    v = jnp.mean((et - m) ** 2, axis=0, keepdims=True)
    et_ref[0] = (et - m) / jnp.sqrt(v + 1e-5) * ge + geb


def _edge_pallas(A, WeT, P):
    return pl.pallas_call(
        _edge_body,
        grid=(_B, _LK // _EBLK),
        in_specs=[
            pl.BlockSpec((1, 16, _EBLK), lambda b, e: (b, 0, e)),
            pl.BlockSpec((128, 40), lambda b, e: (0, 0)),
            pl.BlockSpec((128, 8), lambda b, e: (0, 0)),
        ],
        out_specs=pl.BlockSpec((1, 128, _EBLK), lambda b, e: (b, 0, e)),
        out_shape=jax.ShapeDtypeStruct((_B, 128, _LK), jnp.float32),
    )(A, WeT, P)


def _normalize(x, eps=1e-12):
    n = jnp.linalg.norm(x, axis=-1, keepdims=True)
    return x / jnp.maximum(n, eps)


def _gather_nodes(nodes, E_idx):
    b, l, k = E_idx.shape
    c = nodes.shape[-1]
    idx = E_idx.reshape(b, l * k)
    idx = jnp.broadcast_to(idx[..., None], (b, l * k, c))
    out = jnp.take_along_axis(nodes, idx, axis=1)
    return out.reshape(b, l, k, c)


def _quaternions(R, eps=1e-10):
    diag = jnp.diagonal(R, axis1=-2, axis2=-1)
    Rxx, Ryy, Rzz = diag[..., 0], diag[..., 1], diag[..., 2]
    magnitudes = 0.5 * jnp.sqrt(
        jnp.abs(
            1.0
            + jnp.stack([Rxx - Ryy - Rzz, -Rxx + Ryy - Rzz, -Rxx - Ryy + Rzz], axis=-1)
            + eps
        )
    )

    def _R(i, j):
        return R[..., i, j]

    signs = jnp.sign(
        jnp.stack(
            [_R(2, 1) - _R(1, 2), _R(0, 2) - _R(2, 0), _R(1, 0) - _R(0, 1)], axis=-1
        )
    )
    xyz = signs * magnitudes
    w = jnp.sqrt(jax.nn.relu(1.0 + jnp.sum(diag, axis=-1, keepdims=True))) / 2.0
    Q = jnp.concatenate([xyz, w], axis=-1)
    return _normalize(Q)


def _orientations_coarse(Xca, E_idx, eps=1e-6):
    b, l = Xca.shape[0], Xca.shape[1]
    k = E_idx.shape[2]
    dX = Xca[:, 1:, :] - Xca[:, :-1, :]
    U = _normalize(dX)
    u_2 = U[:, :-2, :]
    u_1 = U[:, 1:-1, :]
    n_2 = _normalize(jnp.cross(u_2, u_1))
    o_1 = _normalize(u_2 - u_1)
    O = jnp.stack([o_1, n_2, jnp.cross(o_1, n_2)], axis=2)
    O = O.reshape(b, O.shape[1], 9)
    O = jnp.pad(O, ((0, 0), (1, 2), (0, 0)))
    O_neighbors = _gather_nodes(O, E_idx)
    X_neighbors = _gather_nodes(Xca, E_idx)
    Omat = O.reshape(b, l, 3, 3)
    On = O_neighbors.reshape(b, l, k, 3, 3)
    dXn = X_neighbors - Xca[:, :, None, :]
    dU = jnp.matmul(Omat[:, :, None, :, :], dXn[..., None])[..., 0]
    dU = _normalize(dU)
    Rmat = jnp.matmul(jnp.swapaxes(Omat[:, :, None, :, :], -1, -2), On)
    Q = _quaternions(Rmat)
    return jnp.concatenate([dU, Q], axis=-1)


def kernel(X, mask, Wn, bn, We, be, gn, gnb, ge, geb):
    Xca = X[:, :, 1, :]
    Dn, Ei = _topk_pallas(Xca)
    E_idx = Ei[..., :_K]
    Dflat = Dn[..., :_K].reshape(_B, _LK)

    Xb = X[:, :, :3, :].reshape(_B, 3 * _L, 3)
    Xbp = jnp.pad(Xb, ((0, 0), (1, 3), (0, 0)))
    WD = jnp.stack([Xbp[:, s : s + 3 * _L] for s in range(4)], axis=1)
    WD = WD.reshape(_B, 4, _L, 3, 3).transpose(0, 1, 4, 3, 2)
    WnT = jnp.pad(Wn.T, ((0, 0), (0, 2)))
    P2 = jnp.concatenate(
        [bn[:, None], gn[:, None], gnb[:, None], jnp.zeros((128, 5), jnp.float32)],
        axis=1,
    )
    VT = _node_pallas(WD, WnT, P2)
    V = VT.transpose(0, 2, 1)

    OF = _orientations_coarse(Xca, E_idx)
    OFT = OF.reshape(_B, _LK, 7).transpose(0, 2, 1)
    iif = jnp.broadcast_to(
        jnp.repeat(jnp.arange(_L, dtype=jnp.float32), _K)[None], (_B, _LK)
    )
    A = jnp.concatenate(
        [
            OFT,
            Dflat[:, None, :],
            E_idx.astype(jnp.float32).reshape(_B, 1, _LK),
            iif[:, None, :],
            jnp.zeros((_B, 6, _LK), jnp.float32),
        ],
        axis=1,
    )
    WeT = jnp.pad(We.T, ((0, 0), (0, 1)))
    P = jnp.concatenate(
        [be[:, None], ge[:, None], geb[:, None], jnp.zeros((128, 5), jnp.float32)],
        axis=1,
    )
    ET = _edge_pallas(A, WeT, P)
    E = ET.transpose(0, 2, 1).reshape(_B, _L, _K, 128)
    return V, E, E_idx

# --- scband reference (transcript-rebuilt; emitter-appended) ---
"""Pipeline reference for scband-protein-features-37821482009362 (READ-ONLY COPY).

The authoritative reference and input builder live on the scoring server;
editing this copy changes nothing except your own understanding.
"""

import jax, jax.numpy as jnp
import numpy as np

B, L, K = 2, 2048, 30
NUM_PE = 16
NUM_RBF = 16
NODE_IN = 6
EDGE_IN = NUM_PE + NUM_RBF + 7
NODE_F = 128
EDGE_F = 128


def _normalize(x, eps=1e-12):
    n = jnp.linalg.norm(x, axis=-1, keepdims=True)
    return x / jnp.maximum(n, eps)


def gather_edges(edges, E_idx):
    # edges [B,L,L,C], E_idx [B,L,K] -> [B,L,K,C]
    idx = jnp.broadcast_to(E_idx[..., None], E_idx.shape + (edges.shape[-1],))
    return jnp.take_along_axis(edges, idx, axis=2)


def gather_nodes(nodes, E_idx):
    # nodes [B,L,C], E_idx [B,L,K] -> [B,L,K,C]
    b, l, k = E_idx.shape
    c = nodes.shape[-1]
    idx = E_idx.reshape(b, l * k)
    idx = jnp.broadcast_to(idx[..., None], (b, l * k, c))
    out = jnp.take_along_axis(nodes, idx, axis=1)
    return out.reshape(b, l, k, c)


def _dist(Xca, mask, top_k, eps=1e-6):
    mask_2D = mask[:, None, :] * mask[:, :, None]
    dX = Xca[:, None, :, :] - Xca[:, :, None, :]
    D = mask_2D * jnp.sqrt(jnp.sum(dX ** 2, axis=3) + eps)
    D_max = jnp.max(D, axis=-1, keepdims=True)
    D_adjust = D + (1.0 - mask_2D) * (D_max + 1.0)
    negD, E_idx = jax.lax.top_k(-D_adjust, top_k)
    D_neighbors = -negD
    mask_neighbors = gather_edges(mask_2D[..., None], E_idx)
    return D_neighbors, E_idx, mask_neighbors


def _rbf(D):
    D_mu = jnp.linspace(0.0, 20.0, NUM_RBF).reshape(1, 1, 1, -1)
    D_sigma = 20.0 / NUM_RBF
    return jnp.exp(-(((D[..., None] - D_mu) / D_sigma) ** 2))


def _pos_embeddings(E_idx):
    n_nodes = E_idx.shape[1]
    ii = jnp.arange(n_nodes, dtype=jnp.float32).reshape(1, -1, 1)
    d = (E_idx.astype(jnp.float32) - ii)[..., None]
    frequency = jnp.exp(jnp.arange(0, NUM_PE, 2, dtype=jnp.float32) * -(np.log(10000.0) / NUM_PE))
    angles = d * frequency.reshape(1, 1, 1, -1)
    return jnp.concatenate([jnp.cos(angles), jnp.sin(angles)], axis=-1)


def _dihedrals(X, eps=1e-7):
    b, l = X.shape[0], X.shape[1]
    Xb = X[:, :, :3, :].reshape(b, 3 * l, 3)
    dX = Xb[:, 1:, :] - Xb[:, :-1, :]
    U = _normalize(dX)
    u_2 = U[:, :-2, :]
    u_1 = U[:, 1:-1, :]
    u_0 = U[:, 2:, :]
    n_2 = _normalize(jnp.cross(u_2, u_1))
    n_1 = _normalize(jnp.cross(u_1, u_0))
    cosD = jnp.sum(n_2 * n_1, axis=-1)
    cosD = jnp.clip(cosD, -1.0 + eps, 1.0 - eps)
    Dih = jnp.sign(jnp.sum(u_2 * n_1, axis=-1)) * jnp.arccos(cosD)
    Dih = jnp.pad(Dih, ((0, 0), (1, 2)))
    Dih = Dih.reshape(b, l, 3)
    return jnp.concatenate([jnp.cos(Dih), jnp.sin(Dih)], axis=-1)


def _quaternions(R, eps=1e-10):
    diag = jnp.diagonal(R, axis1=-2, axis2=-1)
    Rxx, Ryy, Rzz = diag[..., 0], diag[..., 1], diag[..., 2]
    magnitudes = 0.5 * jnp.sqrt(jnp.abs(1.0 + jnp.stack([Rxx - Ryy - Rzz, -Rxx + Ryy - Rzz, -Rxx - Ryy + Rzz], axis=-1) + eps))

    def _R(i, j):
        return R[..., i, j]

    signs = jnp.sign(jnp.stack([_R(2, 1) - _R(1, 2), _R(0, 2) - _R(2, 0), _R(1, 0) - _R(0, 1)], axis=-1))
    xyz = signs * magnitudes
    w = jnp.sqrt(jax.nn.relu(1.0 + jnp.sum(diag, axis=-1, keepdims=True))) / 2.0
    Q = jnp.concatenate([xyz, w], axis=-1)
    return _normalize(Q)


def _orientations_coarse(Xca, E_idx, eps=1e-6):
    b, l = Xca.shape[0], Xca.shape[1]
    k = E_idx.shape[2]
    dX = Xca[:, 1:, :] - Xca[:, :-1, :]
    U = _normalize(dX)
    u_2 = U[:, :-2, :]
    u_1 = U[:, 1:-1, :]
    n_2 = _normalize(jnp.cross(u_2, u_1))
    o_1 = _normalize(u_2 - u_1)
    O = jnp.stack([o_1, n_2, jnp.cross(o_1, n_2)], axis=2)
    O = O.reshape(b, O.shape[1], 9)
    O = jnp.pad(O, ((0, 0), (1, 2), (0, 0)))
    O_neighbors = gather_nodes(O, E_idx)
    X_neighbors = gather_nodes(Xca, E_idx)
    Omat = O.reshape(b, l, 3, 3)
    On = O_neighbors.reshape(b, l, k, 3, 3)
    dXn = X_neighbors - Xca[:, :, None, :]
    dU = jnp.matmul(Omat[:, :, None, :, :], dXn[..., None])[..., 0]
    dU = _normalize(dU)
    Rmat = jnp.matmul(jnp.swapaxes(Omat[:, :, None, :, :], -1, -2), On)
    Q = _quaternions(Rmat)
    return jnp.concatenate([dU, Q], axis=-1)


def layer_norm(x, g, b, eps=1e-5):
    mu = jnp.mean(x, axis=-1, keepdims=True)
    var = jnp.mean((x - mu) ** 2, axis=-1, keepdims=True)
    return (x - mu) / jnp.sqrt(var + eps) * g + b


def setup_inputs(seed: int = 0):
    key = jax.random.key(seed)
    ks = jax.random.split(key, 4)
    X = jax.random.normal(ks[0], (B, L, 4, 3), dtype=jnp.float32)
    mask = jnp.ones((B, L), dtype=jnp.float32)
    Wn = jax.random.normal(ks[1], (NODE_IN, NODE_F), dtype=jnp.float32) * 0.1
    bn = jnp.zeros((NODE_F,), dtype=jnp.float32)
    We = jax.random.normal(ks[2], (EDGE_IN, EDGE_F), dtype=jnp.float32) * 0.1
    be = jnp.zeros((EDGE_F,), dtype=jnp.float32)
    gn = jnp.ones((NODE_F,), dtype=jnp.float32)
    gnb = jnp.zeros((NODE_F,), dtype=jnp.float32)
    ge = jnp.ones((EDGE_F,), dtype=jnp.float32)
    geb = jnp.zeros((EDGE_F,), dtype=jnp.float32)
    return {"X": X, "mask": mask, "Wn": Wn, "bn": bn, "We": We, "be": be, "gn": gn, "gnb": gnb, "ge": ge, "geb": geb}


def reference(X, mask, Wn, bn, We, be, gn, gnb, ge, geb):
    # ProteinFeatures.forward for features_type='full' (Ingraham et al.)
    Xca = X[:, :, 1, :]
    D_neighbors, E_idx, mask_neighbors = _dist(Xca, mask, K)
    RBF = _rbf(D_neighbors)
    E_positional = _pos_embeddings(E_idx)
    V = _dihedrals(X)
    O_features = _orientations_coarse(Xca, E_idx)
    E = jnp.concatenate([E_positional, RBF, O_features], axis=-1)
    V = layer_norm(V @ Wn + bn, gn, gnb)
    E = layer_norm(E @ We + be, ge, geb)
    return V, E, E_idx

if __name__ == "__main__":
    import jax
    _d = setup_inputs()
    print(jax.jit(kernel)(*tuple(_d.values())))

</pallas_src>

<mosaic_0001>
module attributes {stable_mosaic.version = 14 : i64} {
  func.func @_topk_body(%arg0: i32, %arg1: i32, %arg2: memref<1x256x4xf32, #tpu.memory_space<vmem>>, %arg3: memref<1x8x2048xf32, #tpu.memory_space<vmem>>, %arg4: memref<1x256x32xf32, #tpu.memory_space<vmem>>, %arg5: memref<1x256x32xi32, #tpu.memory_space<vmem>>) attributes {dimension_semantics = [#tpu.dimension_semantics<arbitrary>, #tpu.dimension_semantics<arbitrary>], iteration_bounds = array<i64: 2, 8>, scalar_prefetch = 0 : i64, scratch_operands = 0 : i64, tpu.core_type = #tpu.core_type<tc>, window_params = [{transform_indices = @transform_0, window_bounds = array<i64: 1, 256, 4>}, {transform_indices = @transform_1, window_bounds = array<i64: 1, 8, 2048>}, {transform_indices = @transform_2, window_bounds = array<i64: 1, 256, 32>}, {transform_indices = @transform_3, window_bounds = array<i64: 1, 256, 32>}]} {
    %get3A = arith.constant 0 : index
    %get3A_0 = arith.constant 0 : index
    %get3A_1 = arith.constant 0 : index
    %get3A_2 = vector.load %arg2[%get3A, %get3A_0, %get3A_1] : memref<1x256x4xf32, #tpu.memory_space<vmem>>, vector<1x256x4xf32>
    %get3A_3 = vector.shape_cast %get3A_2 : vector<1x256x4xf32> to vector<256x4xf32>
    %slice3A = vector.extract_strided_slice %get3A_3 {offsets = [0, 0], sizes = [256, 1], strides = [1, 1]} : vector<256x4xf32> to vector<256x1xf32>
    %slice3A_4 = vector.extract_strided_slice %get3A_3 {offsets = [0, 1], sizes = [256, 1], strides = [1, 1]} : vector<256x4xf32> to vector<256x1xf32>
    %slice3A_5 = vector.extract_strided_slice %get3A_3 {offsets = [0, 2], sizes = [256, 1], strides = [1, 1]} : vector<256x4xf32> to vector<256x1xf32>
    %get3A_6 = arith.constant 0 : index
    %get3A_7 = arith.constant 0 : index
    %get3A_8 = arith.constant 0 : index
    %get3A_9 = vector.load %arg3[%get3A_6, %get3A_7, %get3A_8] : memref<1x8x2048xf32, #tpu.memory_space<vmem>>, vector<1x8x2048xf32>
    %get3A_10 = vector.shape_cast %get3A_9 : vector<1x8x2048xf32> to vector<8x2048xf32>
    %slice3A_11 = vector.extract_strided_slice %get3A_10 {offsets = [0, 0], sizes = [1, 2048], strides = [1, 1]} : vector<8x2048xf32> to vector<1x2048xf32>
    %slice3A_12 = vector.extract_strided_slice %get3A_10 {offsets = [1, 0], sizes = [1, 2048], strides = [1, 1]} : vector<8x2048xf32> to vector<1x2048xf32>
    %slice3A_13 = vector.extract_strided_slice %get3A_10 {offsets = [2, 0], sizes = [1, 2048], strides = [1, 1]} : vector<8x2048xf32> to vector<1x2048xf32>
    %sub3A = vector.broadcast %slice3A : vector<256x1xf32> to vector<256x2048xf32>
    %sub3A_14 = vector.broadcast %slice3A_11 : vector<1x2048xf32> to vector<256x2048xf32>
    %sub3A_15 = arith.subf %sub3A, %sub3A_14 : vector<256x2048xf32>
    %sub3A_16 = vector.broadcast %slice3A_4 : vector<256x1xf32> to vector<256x2048xf32>
    %sub3A_17 = vector.broadcast %slice3A_12 : vector<1x2048xf32> to vector<256x2048xf32>
    %sub3A_18 = arith.subf %sub3A_16, %sub3A_17 : vector<256x2048xf32>
    %sub3A_19 = vector.broadcast %slice3A_5 : vector<256x1xf32> to vector<256x2048xf32>
    %sub3A_20 = vector.broadcast %slice3A_13 : vector<1x2048xf32> to vector<256x2048xf32>
    %sub3A_21 = arith.subf %sub3A_19, %sub3A_20 : vector<256x2048xf32>
    %mul3A = arith.mulf %sub3A_15, %sub3A_15 : vector<256x2048xf32>
    %mul3A_22 = arith.mulf %sub3A_18, %sub3A_18 : vector<256x2048xf32>
    %add3A = arith.addf %mul3A, %mul3A_22 : vector<256x2048xf32>
    %mul3A_23 = arith.mulf %sub3A_21, %sub3A_21 : vector<256x2048xf32>
    %add3A_24 = arith.addf %add3A, %mul3A_23 : vector<256x2048xf32>
    %add3A_25 = arith.constant 9.99999997E-7 : f32
    %add3A_26 = vector.broadcast %add3A_25 : f32 to vector<256x2048xf32>
    %add3A_27 = arith.addf %add3A_24, %add3A_26 : vector<256x2048xf32>
    %sqrt3A = math.sqrt %add3A_27 : vector<256x2048xf32>
    %iota3A = tpu.iota {dimensions = array<i32: 1>} : vector<256x2048xi32>
    %iota3A_28 = tpu.iota {dimensions = array<i32: 1>} : vector<256x32xi32>
    %broadcast_in_dim3A = arith.constant 0.000000e+00 : f32
    %broadcast_in_dim3A_29 = vector.broadcast %broadcast_in_dim3A : f32 to vector<256x32xf32>
    %broadcast_in_dim3A_30 = arith.constant 0 : i32
    %broadcast_in_dim3A_31 = vector.broadcast %broadcast_in_dim3A_30 : i32 to vector<256x32xi32>
    %reduce_min3A = arith.constant dense<0x7F800000> : vector<256xf32>
    %reduce_min3A_32 = vector.multi_reduction <minimumf>, %sqrt3A, %reduce_min3A [1] : vector<256x2048xf32> to vector<256xf32>
    %broadcast_in_dim3A_33 = vector.shape_cast %reduce_min3A_32 : vector<256xf32> to vector<256x1xf32>
    %eq3A = vector.broadcast %broadcast_in_dim3A_33 : vector<256x1xf32> to vector<256x2048xf32>
    %eq3A_34 = arith.cmpf oeq, %sqrt3A, %eq3A : vector<256x2048xf32>
    %jit3A = arith.constant 2048 : i32
    %broadcast_in_dim3A_35 = vector.broadcast %jit3A : i32 to vector<256x2048xi32>
    %select_n3A = arith.select %eq3A_34, %iota3A, %broadcast_in_dim3A_35 : vector<256x2048xi1>, vector<256x2048xi32>
    %reduce_min3A_36 = arith.constant dense<2147483647> : vector<256xi32>
    %reduce_min3A_37 = vector.multi_reduction <minsi>, %select_n3A, %reduce_min3A_36 [1] : vector<256x2048xi32> to vector<256xi32>
    %broadcast_in_dim3A_38 = vector.shape_cast %reduce_min3A_37 : vector<256xi32> to vector<256x1xi32>
    %eq3A_39 = arith.constant 0 : i32
    %eq3A_40 = vector.broadcast %eq3A_39 : i32 to vector<256x32xi32>
    %eq3A_41 = arith.cmpi eq, %iota3A_28, %eq3A_40 : vector<256x32xi32>
    %broadcast_in_dim3A_42 = vector.shape_cast %broadcast_in_dim3A_33 : vector<256x1xf32> to vector<256x1xf32>
    %broadcast_in_dim3A_43 = vector.broadcast %broadcast_in_dim3A_42 : vector<256x1xf32> to vector<256x32xf32>
    %select_n3A_44 = arith.select %eq3A_41, %broadcast_in_dim3A_43, %broadcast_in_dim3A_29 : vector<256x32xi1>, vector<256x32xf32>
    %eq3A_45 = arith.constant 0 : i32
    %eq3A_46 = vector.broadcast %eq3A_45 : i32 to vector<256x32xi32>
    %eq3A_47 = arith.cmpi eq, %iota3A_28, %eq3A_46 : vector<256x32xi32>
    %broadcast_in_dim3A_48 = vector.shape_cast %broadcast_in_dim3A_38 : vector<256x1xi32> to vector<256x1xi32>
    %broadcast_in_dim3A_49 = vector.broadcast %broadcast_in_dim3A_48 : vector<256x1xi32> to vector<256x32xi32>
    %select_n3A_50 = arith.select %eq3A_47, %broadcast_in_dim3A_49, %broadcast_in_dim3A_31 : vector<256x32xi1>, vector<256x32xi32>
    %eq3A_51 = vector.broadcast %broadcast_in_dim3A_38 : vector<256x1xi32> to vector<256x2048xi32>
    %eq3A_52 = arith.cmpi eq, %iota3A, %eq3A_51 : vector<256x2048xi32>
    %jit3A_53 = arith.constant 0x7F800000 : f32
    %broadcast_in_dim3A_54 = vector.broadcast %jit3A_53 : f32 to vector<256x2048xf32>
    %select_n3A_55 = arith.select %eq3A_52, %broadcast_in_dim3A_54, %sqrt3A : vector<256x2048xi1>, vector<256x2048xf32>
    %reduce_min3A_56 = arith.constant dense<0x7F800000> : vector<256xf32>
    %reduce_min3A_57 = vector.multi_reduction <minimumf>, %select_n3A_55, %reduce_min3A_56 [1] : vector<256x2048xf32> to vector<256xf32>
    %broadcast_in_dim3A_58 = vector.shape_cast %reduce_min3A_57 : vector<256xf32> to vector<256x1xf32>
    %eq3A_59 = vector.broadcast %broadcast_in_dim3A_58 : vector<256x1xf32> to vector<256x2048xf32>
    %eq3A_60 = arith.cmpf oeq, %select_n3A_55, %eq3A_59 : vector<256x2048xf32>
    %jit3A_61 = arith.constant 2048 : i32
    %broadcast_in_dim3A_62 = vector.broadcast %jit3A_61 : i32 to vector<256x2048xi32>
    %select_n3A_63 = arith.select %eq3A_60, %iota3A, %broadcast_in_dim3A_62 : vector<256x2048xi1>, vector<256x2048xi32>
    %reduce_min3A_64 = arith.constant dense<2147483647> : vector<256xi32>
    %reduce_min3A_65 = vector.multi_reduction <minsi>, %select_n3A_63, %reduce_min3A_64 [1] : vector<256x2048xi32> to vector<256xi32>
    %broadcast_in_dim3A_66 = vector.shape_cast %reduce_min3A_65 : vector<256xi32> to vector<256x1xi32>
    %eq3A_67 = arith.constant 1 : i32
    %eq3A_68 = vector.broadcast %eq3A_67 : i32 to vector<256x32xi32>
    %eq3A_69 = arith.cmpi eq, %iota3A_28, %eq3A_68 : vector<256x32xi32>
    %broadcast_in_dim3A_70 = vector.shape_cast %broadcast_in_dim3A_58 : vector<256x1xf32> to vector<256x1xf32>
    %broadcast_in_dim3A_71 = vector.broadcast %broadcast_in_dim3A_70 : vector<256x1xf32> to vector<256x32xf32>
    %select_n3A_72 = arith.select %eq3A_69, %broadcast_in_dim3A_71, %select_n3A_44 : vector<256x32xi1>, vector<256x32xf32>
    %eq3A_73 = arith.constant 1 : i32
    %eq3A_74 = vector.broadcast %eq3A_73 : i32 to vector<256x32xi32>
    %eq3A_75 = arith.cmpi eq, %iota3A_28, %eq3A_74 : vector<256x32xi32>
    %broadcast_in_dim3A_76 = vector.shape_cast %broadcast_in_dim3A_66 : vector<256x1xi32> to vector<256x1xi32>
    %broadcast_in_dim3A_77 = vector.broadcast %broadcast_in_dim3A_76 : vector<256x1xi32> to vector<256x32xi32>
    %select_n3A_78 = arith.select %eq3A_75, %broadcast_in_dim3A_77, %select_n3A_50 : vector<256x32xi1>, vector<256x32xi32>
    %eq3A_79 = vector.broadcast %broadcast_in_dim3A_66 : vector<256x1xi32> to vector<256x2048xi32>
    %eq3A_80 = arith.cmpi eq, %iota3A, %eq3A_79 : vector<256x2048xi32>
    %jit3A_81 = arith.constant 0x7F800000 : f32
    %broadcast_in_dim3A_82 = vector.broadcast %jit3A_81 : f32 to vector<256x2048xf32>
    %select_n3A_83 = arith.select %eq3A_80, %broadcast_in_dim3A_82, %select_n3A_55 : vector<256x2048xi1>, vector<256x2048xf32>
    %reduce_min3A_84 = arith.constant dense<0x7F800000> : vector<256xf32>
    %reduce_min3A_85 = vector.multi_reduction <minimumf>, %select_n3A_83, %reduce_min3A_84 [1] : vector<256x2048xf32> to vector<256xf32>
    %broadcast_in_dim3A_86 = vector.shape_cast %reduce_min3A_85 : vector<256xf32> to vector<256x1xf32>
    %eq3A_87 = vector.broadcast %broadcast_in_dim3A_86 : vector<256x1xf32> to vector<256x2048xf32>
    %eq3A_88 = arith.cmpf oeq, %select_n3A_83, %eq3A_87 : vector<256x2048xf32>
    %jit3A_89 = arith.constant 2048 : i32
    %broadcast_in_dim3A_90 = vector.broadcast %jit3A_89 : i32 to vector<256x2048xi32>
    %select_n3A_91 = arith.select %eq3A_88, %iota3A, %broadcast_in_dim3A_90 : vector<256x2048xi1>, vector<256x2048xi32>
    %reduce_min3A_92 = arith.constant dense<2147483647> : vector<256xi32>
    %reduce_min3A_93 = vector.multi_reduction <minsi>, %select_n3A_91, %reduce_min3A_92 [1] : vector<256x2048xi32> to vector<256xi32>
    %broadcast_in_dim3A_94 = vector.shape_cast %reduce_min3A_93 : vector<256xi32> to vector<256x1xi32>
    %eq3A_95 = arith.constant 2 : i32
    %eq3A_96 = vector.broadcast %eq3A_95 : i32 to vector<256x32xi32>
    %eq3A_97 = arith.cmpi eq, %iota3A_28, %eq3A_96 : vector<256x32xi32>
    %broadcast_in_dim3A_98 = vector.shape_cast %broadcast_in_dim3A_86 : vector<256x1xf32> to vector<256x1xf32>
    %broadcast_in_dim3A_99 = vector.broadcast %broadcast_in_dim3A_98 : vector<256x1xf32> to vector<256x32xf32>
    %select_n3A_100 = arith.select %eq3A_97, %broadcast_in_dim3A_99, %select_n3A_72 : vector<256x32xi1>, vector<256x32xf32>
    %eq3A_101 = arith.constant 2 : i32
    %eq3A_102 = vector.broadcast %eq3A_101 : i32 to vector<256x32xi32>
    %eq3A_103 = arith.cmpi eq, %iota3A_28, %eq3A_102 : vector<256x32xi32>
    %broadcast_in_dim3A_104 = vector.shape_cast %broadcast_in_dim3A_94 : vector<256x1xi32> to vector<256x1xi32>
    %broadcast_in_dim3A_105 = vector.broadcast %broadcast_in_dim3A_104 : vector<256x1xi32> to vector<256x32xi32>
    %select_n3A_106 = arith.select %eq3A_103, %broadcast_in_dim3A_105, %select_n3A_78 : vector<256x32xi1>, vector<256x32xi32>
    %eq3A_107 = vector.broadcast %broadcast_in_dim3A_94 : vector<256x1xi32> to vector<256x2048xi32>
    %eq3A_108 = arith.cmpi eq, %iota3A, %eq3A_107 : vector<256x2048xi32>
    %jit3A_109 = arith.constant 0x7F800000 : f32
    %broadcast_in_dim3A_110 = vector.broadcast %jit3A_109 : f32 to vector<256x2048xf32>
    %select_n3A_111 = arith.select %eq3A_108, %broadcast_in_dim3A_110, %select_n3A_83 : vector<256x2048xi1>, vector<256x2048xf32>
    %reduce_min3A_112 = arith.constant dense<0x7F800000> : vector<256xf32>
    %reduce_min3A_113 = vector.multi_reduction <minimumf>, %select_n3A_111, %reduce_min3A_112 [1] : vector<256x2048xf32> to vector<256xf32>
    %broadcast_in_dim3A_114 = vector.shape_cast %reduce_min3A_113 : vector<256xf32> to vector<256x1xf32>
    %eq3A_115 = vector.broadcast %broadcast_in_dim3A_114 : vector<256x1xf32> to vector<256x2048xf32>
    %eq3A_116 = arith.cmpf oeq, %select_n3A_111, %eq3A_115 : vector<256x2048xf32>
    %jit3A_117 = arith.constant 2048 : i32
    %broadcast_in_dim3A_118 = vector.broadcast %jit3A_117 : i32 to vector<256x2048xi32>
    %select_n3A_119 = arith.select %eq3A_116, %iota3A, %broadcast_in_dim3A_118 : vector<256x2048xi1>, vector<256x2048xi32>
    %reduce_min3A_120 = arith.constant dense<2147483647> : vector<256xi32>
    %reduce_min3A_121 = vector.multi_reduction <minsi>, %select_n3A_119, %reduce_min3A_120 [1] : vector<256x2048xi32> to vector<256xi32>
    %broadcast_in_dim3A_122 = vector.shape_cast %reduce_min3A_121 : vector<256xi32> to vector<256x1xi32>
    %eq3A_123 = arith.constant 3 : i32
    %eq3A_124 = vector.broadcast %eq3A_123 : i32 to vector<256x32xi32>
    %eq3A_125 = arith.cmpi eq, %iota3A_28, %eq3A_124 : vector<256x32xi32>
    %broadcast_in_dim3A_126 = vector.shape_cast %broadcast_in_dim3A_114 : vector<256x1xf32> to vector<256x1xf32>
    %broadcast_in_dim3A_127 = vector.broadcast %broadcast_in_dim3A_126 : vector<256x1xf32> to vector<256x32xf32>
    %select_n3A_128 = arith.select %eq3A_125, %broadcast_in_dim3A_127, %select_n3A_100 : vector<256x32xi1>, vector<256x32xf32>
    %eq3A_129 = arith.constant 3 : i32
    %eq3A_130 = vector.broadcast %eq3A_129 : i32 to vector<256x32xi32>
    %eq3A_131 = arith.cmpi eq, %iota3A_28, %eq3A_130 : vector<256x32xi32>
    %broadcast_in_dim3A_132 = vector.shape_cast %broadcast_in_dim3A_122 : vector<256x1xi32> to vector<256x1xi32>
    %broadcast_in_dim3A_133 = vector.broadcast %broadcast_in_dim3A_132 : vector<256x1xi32> to vector<256x32xi32>
    %select_n3A_134 = arith.select %eq3A_131, %broadcast_in_dim3A_133, %select_n3A_106 : vector<256x32xi1>, vector<256x32xi32>
    %eq3A_135 = vector.broadcast %broadcast_in_dim3A_122 : vector<256x1xi32> to vector<256x2048xi32>
    %eq3A_136 = arith.cmpi eq, %iota3A, %eq3A_135 : vector<256x2048xi32>
    %jit3A_137 = arith.constant 0x7F800000 : f32
    %broadcast_in_dim3A_138 = vector.broadcast %jit3A_137 : f32 to vector<256x2048xf32>
    %select_n3A_139 = arith.select %eq3A_136, %broadcast_in_dim3A_138, %select_n3A_111 : vector<256x2048xi1>, vector<256x2048xf32>
    %reduce_min3A_140 = arith.constant dense<0x7F800000> : vector<256xf32>
    %reduce_min3A_141 = vector.multi_reduction <minimumf>, %select_n3A_139, %reduce_min3A_140 [1] : vector<256x2048xf32> to vector<256xf32>
    %broadcast_in_dim3A_142 = vector.shape_cast %reduce_min3A_141 : vector<256xf32> to vector<256x1xf32>
    %eq3A_143 = vector.broadcast %broadcast_in_dim3A_142 : vector<256x1xf32> to vector<256x2048xf32>
    %eq3A_144 = arith.cmpf oeq, %select_n3A_139, %eq3A_143 : vector<256x2048xf32>
    %jit3A_145 = arith.constant 2048 : i32
    %broadcast_in_dim3A_146 = vector.broadcast %jit3A_145 : i32 to vector<256x2048xi32>
    %select_n3A_147 = arith.select %eq3A_144, %iota3A, %broadcast_in_dim3A_146 : vector<256x2048xi1>, vector<256x2048xi32>
    %reduce_min3A_148 = arith.constant dense<2147483647> : vector<256xi32>
    %reduce_min3A_149 = vector.multi_reduction <minsi>, %select_n3A_147, %reduce_min3A_148 [1] : vector<256x2048xi32> to vector<256xi32>
    %broadcast_in_dim3A_150 = vector.shape_cast %reduce_min3A_149 : vector<256xi32> to vector<256x1xi32>
    %eq3A_151 = arith.constant 4 : i32
    %eq3A_152 = vector.broadcast %eq3A_151 : i32 to vector<256x32xi32>
    %eq3A_153 = arith.cmpi eq, %iota3A_28, %eq3A_152 : vector<256x32xi32>
    %broadcast_in_dim3A_154 = vector.shape_cast %broadcast_in_dim3A_142 : vector<256x1xf32> to vector<256x1xf32>
    %broadcast_in_dim3A_155 = vector.broadcast %broadcast_in_dim3A_154 : vector<256x1xf32> to vector<256x32xf32>
    %select_n3A_156 = arith.select %eq3A_153, %broadcast_in_dim3A_155, %select_n3A_128 : vector<256x32xi1>, vector<256x32xf32>
    %eq3A_157 = arith.constant 4 : i32
    %eq3A_158 = vector.broadcast %eq3A_157 : i32 to vector<256x32xi32>
    %eq3A_159 = arith.cmpi eq, %iota3A_28, %eq3A_158 : vector<256x32xi32>
    %broadcast_in_dim3A_160 = vector.shape_cast %broadcast_in_dim3A_150 : vector<256x1xi32> to vector<256x1xi32>
    %broadcast_in_dim3A_161 = vector.broadcast %broadcast_in_dim3A_160 : vector<256x1xi32> to vector<256x32xi32>
    %select_n3A_162 = arith.select %eq3A_159, %broadcast_in_dim3A_161, %select_n3A_134 : vector<256x32xi1>, vector<256x32xi32>
    %eq3A_163 = vector.broadcast %broadcast_in_dim3A_150 : vector<256x1xi32> to vector<256x2048xi32>
    %eq3A_164 = arith.cmpi eq, %iota3A, %eq3A_163 : vector<256x2048xi32>
    %jit3A_165 = arith.constant 0x7F800000 : f32
    %broadcast_in_dim3A_166 = vector.broadcast %jit3A_165 : f32 to vector<256x2048xf32>
    %select_n3A_167 = arith.select %eq3A_164, %broadcast_in_dim3A_166, %select_n3A_139 : vector<256x2048xi1>, vector<256x2048xf32>
    %reduce_min3A_168 = arith.constant dense<0x7F800000> : vector<256xf32>
    %reduce_min3A_169 = vector.multi_reduction <minimumf>, %select_n3A_167, %reduce_min3A_168 [1] : vector<256x2048xf32> to vector<256xf32>
    %broadcast_in_dim3A_170 = vector.shape_cast %reduce_min3A_169 : vector<256xf32> to vector<256x1xf32>
    %eq3A_171 = vector.broadcast %broadcast_in_dim3A_170 : vector<256x1xf32> to vector<256x2048xf32>
    %eq3A_172 = arith.cmpf oeq, %select_n3A_167, %eq3A_171 : vector<256x2048xf32>
    %jit3A_173 = arith.constant 2048 : i32
    %broadcast_in_dim3A_174 = vector.broadcast %jit3A_173 : i32 to vector<256x2048xi32>
    %select_n3A_175 = arith.select %eq3A_172, %iota3A, %broadcast_in_dim3A_174 : vector<256x2048xi1>, vector<256x2048xi32>
    %reduce_min3A_176 = arith.constant dense<2147483647> : vector<256xi32>
    %reduce_min3A_177 = vector.multi_reduction <minsi>, %select_n3A_175, %reduce_min3A_176 [1] : vector<256x2048xi32> to vector<256xi32>
    %broadcast_in_dim3A_178 = vector.shape_cast %reduce_min3A_177 : vector<256xi32> to vector<256x1xi32>
    %eq3A_179 = arith.constant 5 : i32
    %eq3A_180 = vector.broadcast %eq3A_179 : i32 to vector<256x32xi32>
    %eq3A_181 = arith.cmpi eq, %iota3A_28, %eq3A_180 : vector<256x32xi32>
    %broadcast_in_dim3A_182 = vector.shape_cast %broadcast_in_dim3A_170 : vector<256x1xf32> to vector<256x1xf32>
    %broadcast_in_dim3A_183 = vector.broadcast %broadcast_in_dim3A_182 : vector<256x1xf32> to vector<256x32xf32>
    %select_n3A_184 = arith.select %eq3A_181, %broadcast_in_dim3A_183, %select_n3A_156 : vector<256x32xi1>, vector<256x32xf32>
    %eq3A_185 = arith.constant 5 : i32
    %eq3A_186 = vector.broadcast %eq3A_185 : i32 to vector<256x32xi32>
    %eq3A_187 = arith.cmpi eq, %iota3A_28, %eq3A_186 : vector<256x32xi32>
    %broadcast_in_dim3A_188 = vector.shape_cast %broadcast_in_dim3A_178 : vector<256x1xi32> to vector<256x1xi32>
    %broadcast_in_dim3A_189 = vector.broadcast %broadcast_in_dim3A_188 : vector<256x1xi32> to vector<256x32xi32>
    %select_n3A_190 = arith.select %eq3A_187, %broadcast_in_dim3A_189, %select_n3A_162 : vector<256x32xi1>, vector<256x32xi32>
    %eq3A_191 = vector.broadcast %broadcast_in_dim3A_178 : vector<256x1xi32> to vector<256x2048xi32>
    %eq3A_192 = arith.cmpi eq, %iota3A, %eq3A_191 : vector<256x2048xi32>
    %jit3A_193 = arith.constant 0x7F800000 : f32
    %broadcast_in_dim3A_194 = vector.broadcast %jit3A_193 : f32 to vector<256x2048xf32>
    %select_n3A_195 = arith.select %eq3A_192, %broadcast_in_dim3A_194, %select_n3A_167 : vector<256x2048xi1>, vector<256x2048xf32>
    %reduce_min3A_196 = arith.constant dense<0x7F800000> : vector<256xf32>
    %reduce_min3A_197 = vector.multi_reduction <minimumf>, %select_n3A_195, %reduce_min3A_196 [1] : vector<256x2048xf32> to vector<256xf32>
    %broadcast_in_dim3A_198 = vector.shape_cast %reduce_min3A_197 : vector<256xf32> to vector<256x1xf32>
    %eq3A_199 = vector.broadcast %broadcast_in_dim3A_198 : vector<256x1xf32> to vector<256x2048xf32>
    %eq3A_200 = arith.cmpf oeq, %select_n3A_195, %eq3A_199 : vector<256x2048xf32>
    %jit3A_201 = arith.constant 2048 : i32
    %broadcast_in_dim3A_202 = vector.broadcast %jit3A_201 : i32 to vector<256x2048xi32>
    %select_n3A_203 = arith.select %eq3A_200, %iota3A, %broadcast_in_dim3A_202 : vector<256x2048xi1>, vector<256x2048xi32>
    %reduce_min3A_204 = arith.constant dense<2147483647> : vector<256xi32>
    %reduce_min3A_205 = vector.multi_reduction <minsi>, %select_n3A_203, %reduce_min3A_204 [1] : vector<256x2048xi32> to vector<256xi32>
    %broadcast_in_dim3A_206 = vector.shape_cast %reduce_min3A_205 : vector<256xi32> to vector<256x1xi32>
    %eq3A_207 = arith.constant 6 : i32
    %eq3A_208 = vector.broadcast %eq3A_207 : i32 to vector<256x32xi32>
    %eq3A_209 = arith.cmpi eq, %iota3A_28, %eq3A_208 : vector<256x32xi32>
    %broadcast_in_dim3A_210 = vector.shape_cast %broadcast_in_dim3A_198 : vector<256x1xf32> to vector<256x1xf32>
    %broadcast_in_dim3A_211 = vector.broadcast %broadcast_in_dim3A_210 : vector<256x1xf32> to vector<256x32xf32>
    %select_n3A_212 = arith.select %eq3A_209, %broadcast_in_dim3A_211, %select_n3A_184 : vector<256x32xi1>, vector<256x32xf32>
    %eq3A_213 = arith.constant 6 : i32
    %eq3A_214 = vector.broadcast %eq3A_213 : i32 to vector<256x32xi32>
    %eq3A_215 = arith.cmpi eq, %iota3A_28, %eq3A_214 : vector<256x32xi32>
    %broadcast_in_dim3A_216 = vector.shape_cast %broadcast_in_dim3A_206 : vector<256x1xi32> to vector<256x1xi32>
    %broadcast_in_dim3A_217 = vector.broadcast %broadcast_in_dim3A_216 : vector<256x1xi32> to vector<256x32xi32>
    %select_n3A_218 = arith.select %eq3A_215, %broadcast_in_dim3A_217, %select_n3A_190 : vector<256x32xi1>, vector<256x32xi32>
    %eq3A_219 = vector.broadcast %broadcast_in_dim3A_206 : vector<256x1xi32> to vector<256x2048xi32>
    %eq3A_220 = arith.cmpi eq, %iota3A, %eq3A_219 : vector<256x2048xi32>
    %jit3A_221 = arith.constant 0x7F800000 : f32
    %broadcast_in_dim3A_222 = vector.broadcast %jit3A_221 : f32 to vector<256x2048xf32>
    %select_n3A_223 = arith.select %eq3A_220, %broadcast_in_dim3A_222, %select_n3A_195 : vector<256x2048xi1>, vector<256x2048xf32>
    %reduce_min3A_224 = arith.constant dense<0x7F800000> : vector<256xf32>
    %reduce_min3A_225 = vector.multi_reduction <minimumf>, %select_n3A_223, %reduce_min3A_224 [1] : vector<256x2048xf32> to vector<256xf32>
    %broadcast_in_dim3A_226 = vector.shape_cast %reduce_min3A_225 : vector<256xf32> to vector<256x1xf32>
    %eq3A_227 = vector.broadcast %broadcast_in_dim3A_226 : vector<256x1xf32> to vector<256x2048xf32>
    %eq3A_228 = arith.cmpf oeq, %select_n3A_223, %eq3A_227 : vector<256x2048xf32>
    %jit3A_229 = arith.constant 2048 : i32
    %broadcast_in_dim3A_230 = vector.broadcast %jit3A_229 : i32 to vector<256x2048xi32>
    %select_n3A_231 = arith.select %eq3A_228, %iota3A, %broadcast_in_dim3A_230 : vector<256x2048xi1>, vector<256x2048xi32>
    %reduce_min3A_232 = arith.constant dense<2147483647> : vector<256xi32>
    %reduce_min3A_233 = vector.multi_reduction <minsi>, %select_n3A_231, %reduce_min3A_232 [1] : vector<256x2048xi32> to vector<256xi32>
    %broadcast_in_dim3A_234 = vector.shape_cast %reduce_min3A_233 : vector<256xi32> to vector<256x1xi32>
    %eq3A_235 = arith.constant 7 : i32
    %eq3A_236 = vector.broadcast %eq3A_235 : i32 to vector<256x32xi32>
    %eq3A_237 = arith.cmpi eq, %iota3A_28, %eq3A_236 : vector<256x32xi32>
    %broadcast_in_dim3A_238 = vector.shape_cast %broadcast_in_dim3A_226 : vector<256x1xf32> to vector<256x1xf32>
    %broadcast_in_dim3A_239 = vector.broadcast %broadcast_in_dim3A_238 : vector<256x1xf32> to vector<256x32xf32>
    %select_n3A_240 = arith.select %eq3A_237, %broadcast_in_dim3A_239, %select_n3A_212 : vector<256x32xi1>, vector<256x32xf32>
    %eq3A_241 = arith.constant 7 : i32
    %eq3A_242 = vector.broadcast %eq3A_241 : i32 to vector<256x32xi32>
    %eq3A_243 = arith.cmpi eq, %iota3A_28, %eq3A_242 : vector<256x32xi32>
    %broadcast_in_dim3A_244 = vector.shape_cast %broadcast_in_dim3A_234 : vector<256x1xi32> to vector<256x1xi32>
    %broadcast_in_dim3A_245 = vector.broadcast %broadcast_in_dim3A_244 : vector<256x1xi32> to vector<256x32xi32>
    %select_n3A_246 = arith.select %eq3A_243, %broadcast_in_dim3A_245, %select_n3A_218 : vector<256x32xi1>, vector<256x32xi32>
    %eq3A_247 = vector.broadcast %broadcast_in_dim3A_234 : vector<256x1xi32> to vector<256x2048xi32>
    %eq3A_248 = arith.cmpi eq, %iota3A, %eq3A_247 : vector<256x2048xi32>
    %jit3A_249 = arith.constant 0x7F800000 : f32
    %broadcast_in_dim3A_250 = vector.broadcast %jit3A_249 : f32 to vector<256x2048xf32>
    %select_n3A_251 = arith.select %eq3A_248, %broadcast_in_dim3A_250, %select_n3A_223 : vector<256x2048xi1>, vector<256x2048xf32>
    %reduce_min3A_252 = arith.constant dense<0x7F800000> : vector<256xf32>
    %reduce_min3A_253 = vector.multi_reduction <minimumf>, %select_n3A_251, %reduce_min3A_252 [1] : vector<256x2048xf32> to vector<256xf32>
    %broadcast_in_dim3A_254 = vector.shape_cast %reduce_min3A_253 : vector<256xf32> to vector<256x1xf32>
    %eq3A_255 = vector.broadcast %broadcast_in_dim3A_254 : vector<256x1xf32> to vector<256x2048xf32>
    %eq3A_256 = arith.cmpf oeq, %select_n3A_251, %eq3A_255 : vector<256x2048xf32>
    %jit3A_257 = arith.constant 2048 : i32
    %broadcast_in_dim3A_258 = vector.broadcast %jit3A_257 : i32 to vector<256x2048xi32>
    %select_n3A_259 = arith.select %eq3A_256, %iota3A, %broadcast_in_dim3A_258 : vector<256x2048xi1>, vector<256x2048xi32>
    %reduce_min3A_260 = arith.constant dense<2147483647> : vector<256xi32>
    %reduce_min3A_261 = vector.multi_reduction <minsi>, %select_n3A_259, %reduce_min3A_260 [1] : vector<256x2048xi32> to vector<256xi32>
    %broadcast_in_dim3A_262 = vector.shape_cast %reduce_min3A_261 : vector<256xi32> to vector<256x1xi32>
    %eq3A_263 = arith.constant 8 : i32
    %eq3A_264 = vector.broadcast %eq3A_263 : i32 to vector<256x32xi32>
    %eq3A_265 = arith.cmpi eq, %iota3A_28, %eq3A_264 : vector<256x32xi32>
    %broadcast_in_dim3A_266 = vector.shape_cast %broadcast_in_dim3A_254 : vector<256x1xf32> to vector<256x1xf32>
    %broadcast_in_dim3A_267 = vector.broadcast %broadcast_in_dim3A_266 : vector<256x1xf32> to vector<256x32xf32>
    %select_n3A_268 = arith.select %eq3A_265, %broadcast_in_dim3A_267, %select_n3A_240 : vector<256x32xi1>, vector<256x32xf32>
    %eq3A_269 = arith.constant 8 : i32
    %eq3A_270 = vector.broadcast %eq3A_269 : i32 to vector<256x32xi32>
    %eq3A_271 = arith.cmpi eq, %iota3A_28, %eq3A_270 : vector<256x32xi32>
    %broadcast_in_dim3A_272 = vector.shape_cast %broadcast_in_dim3A_262 : vector<256x1xi32> to vector<256x1xi32>
    %broadcast_in_dim3A_273 = vector.broadcast %broadcast_in_dim3A_272 : vector<256x1xi32> to vector<256x32xi32>
    %select_n3A_274 = arith.select %eq3A_271, %broadcast_in_dim3A_273, %select_n3A_246 : vector<256x32xi1>, vector<256x32xi32>
    %eq3A_275 = vector.broadcast %broadcast_in_dim3A_262 : vector<256x1xi32> to vector<256x2048xi32>
    %eq3A_276 = arith.cmpi eq, %iota3A, %eq3A_275 : vector<256x2048xi32>
    %jit3A_277 = arith.constant 0x7F800000 : f32
    %broadcast_in_dim3A_278 = vector.broadcast %jit3A_277 : f32 to vector<256x2048xf32>
    %select_n3A_279 = arith.select %eq3A_276, %broadcast_in_dim3A_278, %select_n3A_251 : vector<256x2048xi1>, vector<256x2048xf32>
    %reduce_min3A_280 = arith.constant dense<0x7F800000> : vector<256xf32>
    %reduce_min3A_281 = vector.multi_reduction <minimumf>, %select_n3A_279, %reduce_min3A_280 [1] : vector<256x2048xf32> to vector<256xf32>
    %broadcast_in_dim3A_282 = vector.shape_cast %reduce_min3A_281 : vector<256xf32> to vector<256x1xf32>
    %eq3A_283 = vector.broadcast %broadcast_in_dim3A_282 : vector<256x1xf32> to vector<256x2048xf32>
    %eq3A_284 = arith.cmpf oeq, %select_n3A_279, %eq3A_283 : vector<256x2048xf32>
    %jit3A_285 = arith.constant 2048 : i32
    %broadcast_in_dim3A_286 = vector.broadcast %jit3A_285 : i32 to vector<256x2048xi32>
    %select_n3A_287 = arith.select %eq3A_284, %iota3A, %broadcast_in_dim3A_286 : vector<256x2048xi1>, vector<256x2048xi32>
    %reduce_min3A_288 = arith.constant dense<2147483647> : vector<256xi32>
    %reduce_min3A_289 = vector.multi_reduction <minsi>, %select_n3A_287, %reduce_min3A_288 [1] : vector<256x2048xi32> to vector<256xi32>
    %broadcast_in_dim3A_290 = vector.shape_cast %reduce_min3A_289 : vector<256xi32> to vector<256x1xi32>
    %eq3A_291 = arith.constant 9 : i32
    %eq3A_292 = vector.broadcast %eq3A_291 : i32 to vector<256x32xi32>
    %eq3A_293 = arith.cmpi eq, %iota3A_28, %eq3A_292 : vector<256x32xi32>
    %broadcast_in_dim3A_294 = vector.shape_cast %broadcast_in_dim3A_282 : vector<256x1xf32> to vector<256x1xf32>
    %broadcast_in_dim3A_295 = vector.broadcast %broadcast_in_dim3A_294 : vector<256x1xf32> to vector<256x32xf32>
    %select_n3A_296 = arith.select %eq3A_293, %broadcast_in_dim3A_295, %select_n3A_268 : vector<256x32xi1>, vector<256x32xf32>
    %eq3A_297 = arith.constant 9 : i32
    %eq3A_298 = vector.broadcast %eq3A_297 : i32 to vector<256x32xi32>
    %eq3A_299 = arith.cmpi eq, %iota3A_28, %eq3A_298 : vector<256x32xi32>
    %broadcast_in_dim3A_300 = vector.shape_cast %broadcast_in_dim3A_290 : vector<256x1xi32> to vector<256x1xi32>
    %broadcast_in_dim3A_301 = vector.broadcast %broadcast_in_dim3A_300 : vector<256x1xi32> to vector<256x32xi32>
    %select_n3A_302 = arith.select %eq3A_299, %broadcast_in_dim3A_301, %select_n3A_274 : vector<256x32xi1>, vector<256x32xi32>
    %eq3A_303 = vector.broadcast %broadcast_in_dim3A_290 : vector<256x1xi32> to vector<256x2048xi32>
    %eq3A_304 = arith.cmpi eq, %iota3A, %eq3A_303 : vector<256x2048xi32>
    %jit3A_305 = arith.constant 0x7F800000 : f32
    %broadcast_in_dim3A_306 = vector.broadcast %jit3A_305 : f32 to vector<256x2048xf32>
    %select_n3A_307 = arith.select %eq3A_304, %broadcast_in_dim3A_306, %select_n3A_279 : vector<256x2048xi1>, vector<256x2048xf32>
    %reduce_min3A_308 = arith.constant dense<0x7F800000> : vector<256xf32>
    %reduce_min3A_309 = vector.multi_reduction <minimumf>, %select_n3A_307, %reduce_min3A_308 [1] : vector<256x2048xf32> to vector<256xf32>
    %broadcast_in_dim3A_310 = vector.shape_cast %reduce_min3A_309 : vector<256xf32> to vector<256x1xf32>
    %eq3A_311 = vector.broadcast %broadcast_in_dim3A_310 : vector<256x1xf32> to vector<256x2048xf32>
    %eq3A_312 = arith.cmpf oeq, %select_n3A_307, %eq3A_311 : vector<256x2048xf32>
    %jit3A_313 = arith.constant 2048 : i32
    %broadcast_in_dim3A_314 = vector.broadcast %jit3A_313 : i32 to vector<256x2048xi32>
    %select_n3A_315 = arith.select %eq3A_312, %iota3A, %broadcast_in_dim3A_314 : vector<256x2048xi1>, vector<256x2048xi32>
    %reduce_min3A_316 = arith.constant dense<2147483647> : vector<256xi32>
    %reduce_min3A_317 = vector.multi_reduction <minsi>, %select_n3A_315, %reduce_min3A_316 [1] : vector<256x2048xi32> to vector<256xi32>
    %broadcast_in_dim3A_318 = vector.shape_cast %reduce_min3A_317 : vector<256xi32> to vector<256x1xi32>
    %eq3A_319 = arith.constant 10 : i32
    %eq3A_320 = vector.broadcast %eq3A_319 : i32 to vector<256x32xi32>
    %eq3A_321 = arith.cmpi eq, %iota3A_28, %eq3A_320 : vector<256x32xi32>
    %broadcast_in_dim3A_322 = vector.shape_cast %broadcast_in_dim3A_310 : vector<256x1xf32> to vector<256x1xf32>
    %broadcast_in_dim3A_323 = vector.broadcast %broadcast_in_dim3A_322 : vector<256x1xf32> to vector<256x32xf32>
    %select_n3A_324 = arith.select %eq3A_321, %broadcast_in_dim3A_323, %select_n3A_296 : vector<256x32xi1>, vector<256x32xf32>
    %eq3A_325 = arith.constant 10 : i32
    %eq3A_326 = vector.broadcast %eq3A_325 : i32 to vector<256x32xi32>
    %eq3A_327 = arith.cmpi eq, %iota3A_28, %eq3A_326 : vector<256x32xi32>
    %broadcast_in_dim3A_328 = vector.shape_cast %broadcast_in_dim3A_318 : vector<256x1xi32> to vector<256x1xi32>
    %broadcast_in_dim3A_329 = vector.broadcast %broadcast_in_dim3A_328 : vector<256x1xi32> to vector<256x32xi32>
    %select_n3A_330 = arith.select %eq3A_327, %broadcast_in_dim3A_329, %select_n3A_302 : vector<256x32xi1>, vector<256x32xi32>
    %eq3A_331 = vector.broadcast %broadcast_in_dim3A_318 : vector<256x1xi32> to vector<256x2048xi32>
    %eq3A_332 = arith.cmpi eq, %iota3A, %eq3A_331 : vector<256x2048xi32>
    %jit3A_333 = arith.constant 0x7F800000 : f32
    %broadcast_in_dim3A_334 = vector.broadcast %jit3A_333 : f32 to vector<256x2048xf32>
    %select_n3A_335 = arith.select %eq3A_332, %broadcast_in_dim3A_334, %select_n3A_307 : vector<256x2048xi1>, vector<256x2048xf32>
    %reduce_min3A_336 = arith.constant dense<0x7F800000> : vector<256xf32>
    %reduce_min3A_337 = vector.multi_reduction <minimumf>, %select_n3A_335, %reduce_min3A_336 [1] : vector<256x2048xf32> to vector<256xf32>
    %broadcast_in_dim3A_338 = vector.shape_cast %reduce_min3A_337 : vector<256xf32> to vector<256x1xf32>
    %eq3A_339 = vector.broadcast %broadcast_in_dim3A_338 : vector<256x1xf32> to vector<256x2048xf32>
    %eq3A_340 = arith.cmpf oeq, %select_n3A_335, %eq3A_339 : vector<256x2048xf32>
    %jit3A_341 = arith.constant 2048 : i32
    %broadcast_in_dim3A_342 = vector.broadcast %jit3A_341 : i32 to vector<256x2048xi32>
    %select_n3A_343 = arith.select %eq3A_340, %iota3A, %broadcast_in_dim3A_342 : vector<256x2048xi1>, vector<256x2048xi32>
    %reduce_min3A_344 = arith.constant dense<2147483647> : vector<256xi32>
    %reduce_min3A_345 = vector.multi_reduction <minsi>, %select_n3A_343, %reduce_min3A_344 [1] : vector<256x2048xi32> to vector<256xi32>
    %broadcast_in_dim3A_346 = vector.shape_cast %reduce_min3A_345 : vector<256xi32> to vector<256x1xi32>
    %eq3A_347 = arith.constant 11 : i32
    %eq3A_348 = vector.broadcast %eq3A_347 : i32 to vector<256x32xi32>
    %eq3A_349 = arith.cmpi eq, %iota3A_28, %eq3A_348 : vector<256x32xi32>
    %broadcast_in_dim3A_350 = vector.shape_cast %broadcast_in_dim3A_338 : vector<256x1xf32> to vector<256x1xf32>
    %broadcast_in_dim3A_351 = vector.broadcast %broadcast_in_dim3A_350 : vector<256x1xf32> to vector<256x32xf32>
    %select_n3A_352 = arith.select %eq3A_349, %broadcast_in_dim3A_351, %select_n3A_324 : vector<256x32xi1>, vector<256x32xf32>
    %eq3A_353 = arith.constant 11 : i32
    %eq3A_354 = vector.broadcast %eq3A_353 : i32 to vector<256x32xi32>
    %eq3A_355 = arith.cmpi eq, %iota3A_28, %eq3A_354 : vector<256x32xi32>
    %broadcast_in_dim3A_356 = vector.shape_cast %broadcast_in_dim3A_346 : vector<256x1xi32> to vector<256x1xi32>
    %broadcast_in_dim3A_357 = vector.broadcast %broadcast_in_dim3A_356 : vector<256x1xi32> to vector<256x32xi32>
    %select_n3A_358 = arith.select %eq3A_355, %broadcast_in_dim3A_357, %select_n3A_330 : vector<256x32xi1>, vector<256x32xi32>
    %eq3A_359 = vector.broadcast %broadcast_in_dim3A_346 : vector<256x1xi32> to vector<256x2048xi32>
    %eq3A_360 = arith.cmpi eq, %iota3A, %eq3A_359 : vector<256x2048xi32>
    %jit3A_361 = arith.constant 0x7F800000 : f32
    %broadcast_in_dim3A_362 = vector.broadcast %jit3A_361 : f32 to vector<256x2048xf32>
    %select_n3A_363 = arith.select %eq3A_360, %broadcast_in_dim3A_362, %select_n3A_335 : vector<256x2048xi1>, vector<256x2048xf32>
    %reduce_min3A_364 = arith.constant dense<0x7F800000> : vector<256xf32>
    %reduce_min3A_365 = vector.multi_reduction <minimumf>, %select_n3A_363, %reduce_min3A_364 [1] : vector<256x2048xf32> to vector<256xf32>
    %broadcast_in_dim3A_366 = vector.shape_cast %reduce_min3A_365 : vector<256xf32> to vector<256x1xf32>
    %eq3A_367 = vector.broadcast %broadcast_in_dim3A_366 : vector<256x1xf32> to vector<256x2048xf32>
    %eq3A_368 = arith.cmpf oeq, %select_n3A_363, %eq3A_367 : vector<256x2048xf32>
    %jit3A_369 = arith.constant 2048 : i32
    %broadcast_in_dim3A_370 = vector.broadcast %jit3A_369 : i32 to vector<256x2048xi32>
    %select_n3A_371 = arith.select %eq3A_368, %iota3A, %broadcast_in_dim3A_370 : vector<256x2048xi1>, vector<256x2048xi32>
    %reduce_min3A_372 = arith.constant dense<2147483647> : vector<256xi32>
    %reduce_min3A_373 = vector.multi_reduction <minsi>, %select_n3A_371, %reduce_min3A_372 [1] : vector<256x2048xi32> to vector<256xi32>
    %broadcast_in_dim3A_374 = vector.shape_cast %reduce_min3A_373 : vector<256xi32> to vector<256x1xi32>
    %eq3A_375 = arith.constant 12 : i32
    %eq3A_376 = vector.broadcast %eq3A_375 : i32 to vector<256x32xi32>
    %eq3A_377 = arith.cmpi eq, %iota3A_28, %eq3A_376 : vector<256x32xi32>
    %broadcast_in_dim3A_378 = vector.shape_cast %broadcast_in_dim3A_366 : vector<256x1xf32> to vector<256x1xf32>
    %broadcast_in_dim3A_379 = vector.broadcast %broadcast_in_dim3A_378 : vector<256x1xf32> to vector<256x32xf32>
    %select_n3A_380 = arith.select %eq3A_377, %broadcast_in_dim3A_379, %select_n3A_352 : vector<256x32xi1>, vector<256x32xf32>
    %eq3A_381 = arith.constant 12 : i32
    %eq3A_382 = vector.broadcast %eq3A_381 : i32 to vector<256x32xi32>
    %eq3A_383 = arith.cmpi eq, %iota3A_28, %eq3A_382 : vector<256x32xi32>
    %broadcast_in_dim3A_384 = vector.shape_cast %broadcast_in_dim3A_374 : vector<256x1xi32> to vector<256x1xi32>
    %broadcast_in_dim3A_385 = vector.broadcast %broadcast_in_dim3A_384 : vector<256x1xi32> to vector<256x32xi32>
    %select_n3A_386 = arith.select %eq3A_383, %broadcast_in_dim3A_385, %select_n3A_358 : vector<256x32xi1>, vector<256x32xi32>
    %eq3A_387 = vector.broadcast %broadcast_in_dim3A_374 : vector<256x1xi32> to vector<256x2048xi32>
    %eq3A_388 = arith.cmpi eq, %iota3A, %eq3A_387 : vector<256x2048xi32>
    %jit3A_389 = arith.constant 0x7F800000 : f32
    %broadcast_in_dim3A_390 = vector.broadcast %jit3A_389 : f32 to vector<256x2048xf32>
    %select_n3A_391 = arith.select %eq3A_388, %broadcast_in_dim3A_390, %select_n3A_363 : vector<256x2048xi1>, vector<256x2048xf32>
    %reduce_min3A_392 = arith.constant dense<0x7F800000> : vector<256xf32>
    %reduce_min3A_393 = vector.multi_reduction <minimumf>, %select_n3A_391, %reduce_min3A_392 [1] : vector<256x2048xf32> to vector<256xf32>
    %broadcast_in_dim3A_394 = vector.shape_cast %reduce_min3A_393 : vector<256xf32> to vector<256x1xf32>
    %eq3A_395 = vector.broadcast %broadcast_in_dim3A_394 : vector<256x1xf32> to vector<256x2048xf32>
    %eq3A_396 = arith.cmpf oeq, %select_n3A_391, %eq3A_395 : vector<256x2048xf32>
    %jit3A_397 = arith.constant 2048 : i32
    %broadcast_in_dim3A_398 = vector.broadcast %jit3A_397 : i32 to vector<256x2048xi32>
    %select_n3A_399 = arith.select %eq3A_396, %iota3A, %broadcast_in_dim3A_398 : vector<256x2048xi1>, vector<256x2048xi32>
    %reduce_min3A_400 = arith.constant dense<2147483647> : vector<256xi32>
    %reduce_min3A_401 = vector.multi_reduction <minsi>, %select_n3A_399, %reduce_min3A_400 [1] : vector<256x2048xi32> to vector<256xi32>
    %broadcast_in_dim3A_402 = vector.shape_cast %reduce_min3A_401 : vector<256xi32> to vector<256x1xi32>
    %eq3A_403 = arith.constant 13 : i32
    %eq3A_404 = vector.broadcast %eq3A_403 : i32 to vector<256x32xi32>
    %eq3A_405 = arith.cmpi eq, %iota3A_28, %eq3A_404 : vector<256x32xi32>
    %broadcast_in_dim3A_406 = vector.shape_cast %broadcast_in_dim3A_394 : vector<256x1xf32> to vector<256x1xf32>
    %broadcast_in_dim3A_407 = vector.broadcast %broadcast_in_dim3A_406 : vector<256x1xf32> to vector<256x32xf32>
    %select_n3A_408 = arith.select %eq3A_405, %broadcast_in_dim3A_407, %select_n3A_380 : vector<256x32xi1>, vector<256x32xf32>
    %eq3A_409 = arith.constant 13 : i32
    %eq3A_410 = vector.broadcast %eq3A_409 : i32 to vector<256x32xi32>
    %eq3A_411 = arith.cmpi eq, %iota3A_28, %eq3A_410 : vector<256x32xi32>
    %broadcast_in_dim3A_412 = vector.shape_cast %broadcast_in_dim3A_402 : vector<256x1xi32> to vector<256x1xi32>
    %broadcast_in_dim3A_413 = vector.broadcast %broadcast_in_dim3A_412 : vector<256x1xi32> to vector<256x32xi32>
    %select_n3A_414 = arith.select %eq3A_411, %broadcast_in_dim3A_413, %select_n3A_386 : vector<256x32xi1>, vector<256x32xi32>
    %eq3A_415 = vector.broadcast %broadcast_in_dim3A_402 : vector<256x1xi32> to vector<256x2048xi32>
    %eq3A_416 = arith.cmpi eq, %iota3A, %eq3A_415 : vector<256x2048xi32>
    %jit3A_417 = arith.constant 0x7F800000 : f32
    %broadcast_in_dim3A_418 = vector.broadcast %jit3A_417 : f32 to vector<256x2048xf32>
    %select_n3A_419 = arith.select %eq3A_416, %broadcast_in_dim3A_418, %select_n3A_391 : vector<256x2048xi1>, vector<256x2048xf32>
    %reduce_min3A_420 = arith.constant dense<0x7F800000> : vector<256xf32>
    %reduce_min3A_421 = vector.multi_reduction <minimumf>, %select_n3A_419, %reduce_min3A_420 [1] : vector<256x2048xf32> to vector<256xf32>
    %broadcast_in_dim3A_422 = vector.shape_cast %reduce_min3A_421 : vector<256xf32> to vector<256x1xf32>
    %eq3A_423 = vector.broadcast %broadcast_in_dim3A_422 : vector<256x1xf32> to vector<256x2048xf32>
    %eq3A_424 = arith.cmpf oeq, %select_n3A_419, %eq3A_423 : vector<256x2048xf32>
    %jit3A_425 = arith.constant 2048 : i32
    %broadcast_in_dim3A_426 = vector.broadcast %jit3A_425 : i32 to vector<256x2048xi32>
    %select_n3A_427 = arith.select %eq3A_424, %iota3A, %broadcast_in_dim3A_426 : vector<256x2048xi1>, vector<256x2048xi32>
    %reduce_min3A_428 = arith.constant dense<2147483647> : vector<256xi32>
    %reduce_min3A_429 = vector.multi_reduction <minsi>, %select_n3A_427, %reduce_min3A_428 [1] : vector<256x2048xi32> to vector<256xi32>
    %broadcast_in_dim3A_430 = vector.shape_cast %reduce_min3A_429 : vector<256xi32> to vector<256x1xi32>
    %eq3A_431 = arith.constant 14 : i32
    %eq3A_432 = vector.broadcast %eq3A_431 : i32 to vector<256x32xi32>
    %eq3A_433 = arith.cmpi eq, %iota3A_28, %eq3A_432 : vector<256x32xi32>
    %broadcast_in_dim3A_434 = vector.shape_cast %broadcast_in_dim3A_422 : vector<256x1xf32> to vector<256x1xf32>
    %broadcast_in_dim3A_435 = vector.broadcast %broadcast_in_dim3A_434 : vector<256x1xf32> to vector<256x32xf32>
    %select_n3A_436 = arith.select %eq3A_433, %broadcast_in_dim3A_435, %select_n3A_408 : vector<256x32xi1>, vector<256x32xf32>
    %eq3A_437 = arith.constant 14 : i32
    %eq3A_438 = vector.broadcast %eq3A_437 : i32 to vector<256x32xi32>
    %eq3A_439 = arith.cmpi eq, %iota3A_28, %eq3A_438 : vector<256x32xi32>
    %broadcast_in_dim3A_440 = vector.shape_cast %broadcast_in_dim3A_430 : vector<256x1xi32> to vector<256x1xi32>
    %broadcast_in_dim3A_441 = vector.broadcast %broadcast_in_dim3A_440 : vector<256x1xi32> to vector<256x32xi32>
    %select_n3A_442 = arith.select %eq3A_439, %broadcast_in_dim3A_441, %select_n3A_414 : vector<256x32xi1>, vector<256x32xi32>
    %eq3A_443 = vector.broadcast %broadcast_in_dim3A_430 : vector<256x1xi32> to vector<256x2048xi32>
    %eq3A_444 = arith.cmpi eq, %iota3A, %eq3A_443 : vector<256x2048xi32>
    %jit3A_445 = arith.constant 0x7F800000 : f32
    %broadcast_in_dim3A_446 = vector.broadcast %jit3A_445 : f32 to vector<256x2048xf32>
    %select_n3A_447 = arith.select %eq3A_444, %broadcast_in_dim3A_446, %select_n3A_419 : vector<256x2048xi1>, vector<256x2048xf32>
    %reduce_min3A_448 = arith.constant dense<0x7F800000> : vector<256xf32>
    %reduce_min3A_449 = vector.multi_reduction <minimumf>, %select_n3A_447, %reduce_min3A_448 [1] : vector<256x2048xf32> to vector<256xf32>
    %broadcast_in_dim3A_450 = vector.shape_cast %reduce_min3A_449 : vector<256xf32> to vector<256x1xf32>
    %eq3A_451 = vector.broadcast %broadcast_in_dim3A_450 : vector<256x1xf32> to vector<256x2048xf32>
    %eq3A_452 = arith.cmpf oeq, %select_n3A_447, %eq3A_451 : vector<256x2048xf32>
    %jit3A_453 = arith.constant 2048 : i32
    %broadcast_in_dim3A_454 = vector.broadcast %jit3A_453 : i32 to vector<256x2048xi32>
    %select_n3A_455 = arith.select %eq3A_452, %iota3A, %broadcast_in_dim3A_454 : vector<256x2048xi1>, vector<256x2048xi32>
    %reduce_min3A_456 = arith.constant dense<2147483647> : vector<256xi32>
    %reduce_min3A_457 = vector.multi_reduction <minsi>, %select_n3A_455, %reduce_min3A_456 [1] : vector<256x2048xi32> to vector<256xi32>
    %broadcast_in_dim3A_458 = vector.shape_cast %reduce_min3A_457 : vector<256xi32> to vector<256x1xi32>
    %eq3A_459 = arith.constant 15 : i32
    %eq3A_460 = vector.broadcast %eq3A_459 : i32 to vector<256x32xi32>
    %eq3A_461 = arith.cmpi eq, %iota3A_28, %eq3A_460 : vector<256x32xi32>
    %broadcast_in_dim3A_462 = vector.shape_cast %broadcast_in_dim3A_450 : vector<256x1xf32> to vector<256x1xf32>
    %broadcast_in_dim3A_463 = vector.broadcast %broadcast_in_dim3A_462 : vector<256x1xf32> to vector<256x32xf32>
    %select_n3A_464 = arith.select %eq3A_461, %broadcast_in_dim3A_463, %select_n3A_436 : vector<256x32xi1>, vector<256x32xf32>
    %eq3A_465 = arith.constant 15 : i32
    %eq3A_466 = vector.broadcast %eq3A_465 : i32 to vector<256x32xi32>
    %eq3A_467 = arith.cmpi eq, %iota3A_28, %eq3A_466 : vector<256x32xi32>
    %broadcast_in_dim3A_468 = vector.shape_cast %broadcast_in_dim3A_458 : vector<256x1xi32> to vector<256x1xi32>
    %broadcast_in_dim3A_469 = vector.broadcast %broadcast_in_dim3A_468 : vector<256x1xi32> to vector<256x32xi32>
    %select_n3A_470 = arith.select %eq3A_467, %broadcast_in_dim3A_469, %select_n3A_442 : vector<256x32xi1>, vector<256x32xi32>
    %eq3A_471 = vector.broadcast %broadcast_in_dim3A_458 : vector<256x1xi32> to vector<256x2048xi32>
    %eq3A_472 = arith.cmpi eq, %iota3A, %eq3A_471 : vector<256x2048xi32>
    %jit3A_473 = arith.constant 0x7F800000 : f32
    %broadcast_in_dim3A_474 = vector.broadcast %jit3A_473 : f32 to vector<256x2048xf32>
    %select_n3A_475 = arith.select %eq3A_472, %broadcast_in_dim3A_474, %select_n3A_447 : vector<256x2048xi1>, vector<256x2048xf32>
    %reduce_min3A_476 = arith.constant dense<0x7F800000> : vector<256xf32>
    %reduce_min3A_477 = vector.multi_reduction <minimumf>, %select_n3A_475, %reduce_min3A_476 [1] : vector<256x2048xf32> to vector<256xf32>
    %broadcast_in_dim3A_478 = vector.shape_cast %reduce_min3A_477 : vector<256xf32> to vector<256x1xf32>
    %eq3A_479 = vector.broadcast %broadcast_in_dim3A_478 : vector<256x1xf32> to vector<256x2048xf32>
    %eq3A_480 = arith.cmpf oeq, %select_n3A_475, %eq3A_479 : vector<256x2048xf32>
    %jit3A_481 = arith.constant 2048 : i32
    %broadcast_in_dim3A_482 = vector.broadcast %jit3A_481 : i32 to vector<256x2048xi32>
    %select_n3A_483 = arith.select %eq3A_480, %iota3A, %broadcast_in_dim3A_482 : vector<256x2048xi1>, vector<256x2048xi32>
    %reduce_min3A_484 = arith.constant dense<2147483647> : vector<256xi32>
    %reduce_min3A_485 = vector.multi_reduction <minsi>, %select_n3A_483, %reduce_min3A_484 [1] : vector<256x2048xi32> to vector<256xi32>
    %broadcast_in_dim3A_486 = vector.shape_cast %reduce_min3A_485 : vector<256xi32> to vector<256x1xi32>
    %eq3A_487 = arith.constant 16 : i32
    %eq3A_488 = vector.broadcast %eq3A_487 : i32 to vector<256x32xi32>
    %eq3A_489 = arith.cmpi eq, %iota3A_28, %eq3A_488 : vector<256x32xi32>
    %broadcast_in_dim3A_490 = vector.shape_cast %broadcast_in_dim3A_478 : vector<256x1xf32> to vector<256x1xf32>
    %broadcast_in_dim3A_491 = vector.broadcast %broadcast_in_dim3A_490 : vector<256x1xf32> to vector<256x32xf32>
    %select_n3A_492 = arith.select %eq3A_489, %broadcast_in_dim3A_491, %select_n3A_464 : vector<256x32xi1>, vector<256x32xf32>
    %eq3A_493 = arith.constant 16 : i32
    %eq3A_494 = vector.broadcast %eq3A_493 : i32 to vector<256x32xi32>
    %eq3A_495 = arith.cmpi eq, %iota3A_28, %eq3A_494 : vector<256x32xi32>
    %broadcast_in_dim3A_496 = vector.shape_cast %broadcast_in_dim3A_486 : vector<256x1xi32> to vector<256x1xi32>
    %broadcast_in_dim3A_497 = vector.broadcast %broadcast_in_dim3A_496 : vector<256x1xi32> to vector<256x32xi32>
    %select_n3A_498 = arith.select %eq3A_495, %broadcast_in_dim3A_497, %select_n3A_470 : vector<256x32xi1>, vector<256x32xi32>
    %eq3A_499 = vector.broadcast %broadcast_in_dim3A_486 : vector<256x1xi32> to vector<256x2048xi32>
    %eq3A_500 = arith.cmpi eq, %iota3A, %eq3A_499 : vector<256x2048xi32>
    %jit3A_501 = arith.constant 0x7F800000 : f32
    %broadcast_in_dim3A_502 = vector.broadcast %jit3A_501 : f32 to vector<256x2048xf32>
    %select_n3A_503 = arith.select %eq3A_500, %broadcast_in_dim3A_502, %select_n3A_475 : vector<256x2048xi1>, vector<256x2048xf32>
    %reduce_min3A_504 = arith.constant dense<0x7F800000> : vector<256xf32>
    %reduce_min3A_505 = vector.multi_reduction <minimumf>, %select_n3A_503, %reduce_min3A_504 [1] : vector<256x2048xf32> to vector<256xf32>
    %broadcast_in_dim3A_506 = vector.shape_cast %reduce_min3A_505 : vector<256xf32> to vector<256x1xf32>
    %eq3A_507 = vector.broadcast %broadcast_in_dim3A_506 : vector<256x1xf32> to vector<256x2048xf32>
    %eq3A_508 = arith.cmpf oeq, %select_n3A_503, %eq3A_507 : vector<256x2048xf32>
    %jit3A_509 = arith.constant 2048 : i32
    %broadcast_in_dim3A_510 = vector.broadcast %jit3A_509 : i32 to vector<256x2048xi32>
    %select_n3A_511 = arith.select %eq3A_508, %iota3A, %broadcast_in_dim3A_510 : vector<256x2048xi1>, vector<256x2048xi32>
    %reduce_min3A_512 = arith.constant dense<2147483647> : vector<256xi32>
    %reduce_min3A_513 = vector.multi_reduction <minsi>, %select_n3A_511, %reduce_min3A_512 [1] : vector<256x2048xi32> to vector<256xi32>
    %broadcast_in_dim3A_514 = vector.shape_cast %reduce_min3A_513 : vector<256xi32> to vector<256x1xi32>
    %eq3A_515 = arith.constant 17 : i32
    %eq3A_516 = vector.broadcast %eq3A_515 : i32 to vector<256x32xi32>
    %eq3A_517 = arith.cmpi eq, %iota3A_28, %eq3A_516 : vector<256x32xi32>
    %broadcast_in_dim3A_518 = vector.shape_cast %broadcast_in_dim3A_506 : vector<256x1xf32> to vector<256x1xf32>
    %broadcast_in_dim3A_519 = vector.broadcast %broadcast_in_dim3A_518 : vector<256x1xf32> to vector<256x32xf32>
    %select_n3A_520 = arith.select %eq3A_517, %broadcast_in_dim3A_519, %select_n3A_492 : vector<256x32xi1>, vector<256x32xf32>
    %eq3A_521 = arith.constant 17 : i32
    %eq3A_522 = vector.broadcast %eq3A_521 : i32 to vector<256x32xi32>
    %eq3A_523 = arith.cmpi eq, %iota3A_28, %eq3A_522 : vector<256x32xi32>
    %broadcast_in_dim3A_524 = vector.shape_cast %broadcast_in_dim3A_514 : vector<256x1xi32> to vector<256x1xi32>
    %broadcast_in_dim3A_525 = vector.broadcast %broadcast_in_dim3A_524 : vector<256x1xi32> to vector<256x32xi32>
    %select_n3A_526 = arith.select %eq3A_523, %broadcast_in_dim3A_525, %select_n3A_498 : vector<256x32xi1>, vector<256x32xi32>
    %eq3A_527 = vector.broadcast %broadcast_in_dim3A_514 : vector<256x1xi32> to vector<256x2048xi32>
    %eq3A_528 = arith.cmpi eq, %iota3A, %eq3A_527 : vector<256x2048xi32>
    %jit3A_529 = arith.constant 0x7F800000 : f32
    %broadcast_in_dim3A_530 = vector.broadcast %jit3A_529 : f32 to vector<256x2048xf32>
    %select_n3A_531 = arith.select %eq3A_528, %broadcast_in_dim3A_530, %select_n3A_503 : vector<256x2048xi1>, vector<256x2048xf32>
    %reduce_min3A_532 = arith.constant dense<0x7F800000> : vector<256xf32>
    %reduce_min3A_533 = vector.multi_reduction <minimumf>, %select_n3A_531, %reduce_min3A_532 [1] : vector<256x2048xf32> to vector<256xf32>
    %broadcast_in_dim3A_534 = vector.shape_cast %reduce_min3A_533 : vector<256xf32> to vector<256x1xf32>
    %eq3A_535 = vector.broadcast %broadcast_in_dim3A_534 : vector<256x1xf32> to vector<256x2048xf32>
    %eq3A_536 = arith.cmpf oeq, %select_n3A_531, %eq3A_535 : vector<256x2048xf32>
    %jit3A_537 = arith.constant 2048 : i32
    %broadcast_in_dim3A_538 = vector.broadcast %jit3A_537 : i32 to vector<256x2048xi32>
    %select_n3A_539 = arith.select %eq3A_536, %iota3A, %broadcast_in_dim3A_538 : vector<256x2048xi1>, vector<256x2048xi32>
    %reduce_min3A_540 = arith.constant dense<2147483647> : vector<256xi32>
    %reduce_min3A_541 = vector.multi_reduction <minsi>, %select_n3A_539, %reduce_min3A_540 [1] : vector<256x2048xi32> to vector<256xi32>
    %broadcast_in_dim3A_542 = vector.shape_cast %reduce_min3A_541 : vector<256xi32> to vector<256x1xi32>
    %eq3A_543 = arith.constant 18 : i32
    %eq3A_544 = vector.broadcast %eq3A_543 : i32 to vector<256x32xi32>
    %eq3A_545 = arith.cmpi eq, %iota3A_28, %eq3A_544 : vector<256x32xi32>
    %broadcast_in_dim3A_546 = vector.shape_cast %broadcast_in_dim3A_534 : vector<256x1xf32> to vector<256x1xf32>
    %broadcast_in_dim3A_547 = vector.broadcast %broadcast_in_dim3A_546 : vector<256x1xf32> to vector<256x32xf32>
    %select_n3A_548 = arith.select %eq3A_545, %broadcast_in_dim3A_547, %select_n3A_520 : vector<256x32xi1>, vector<256x32xf32>
    %eq3A_549 = arith.constant 18 : i32
    %eq3A_550 = vector.broadcast %eq3A_549 : i32 to vector<256x32xi32>
    %eq3A_551 = arith.cmpi eq, %iota3A_28, %eq3A_550 : vector<256x32xi32>
    %broadcast_in_dim3A_552 = vector.shape_cast %broadcast_in_dim3A_542 : vector<256x1xi32> to vector<256x1xi32>
    %broadcast_in_dim3A_553 = vector.broadcast %broadcast_in_dim3A_552 : vector<256x1xi32> to vector<256x32xi32>
    %select_n3A_554 = arith.select %eq3A_551, %broadcast_in_dim3A_553, %select_n3A_526 : vector<256x32xi1>, vector<256x32xi32>
    %eq3A_555 = vector.broadcast %broadcast_in_dim3A_542 : vector<256x1xi32> to vector<256x2048xi32>
    %eq3A_556 = arith.cmpi eq, %iota3A, %eq3A_555 : vector<256x2048xi32>
    %jit3A_557 = arith.constant 0x7F800000 : f32
    %broadcast_in_dim3A_558 = vector.broadcast %jit3A_557 : f32 to vector<256x2048xf32>
    %select_n3A_559 = arith.select %eq3A_556, %broadcast_in_dim3A_558, %select_n3A_531 : vector<256x2048xi1>, vector<256x2048xf32>
    %reduce_min3A_560 = arith.constant dense<0x7F800000> : vector<256xf32>
    %reduce_min3A_561 = vector.multi_reduction <minimumf>, %select_n3A_559, %reduce_min3A_560 [1] : vector<256x2048xf32> to vector<256xf32>
    %broadcast_in_dim3A_562 = vector.shape_cast %reduce_min3A_561 : vector<256xf32> to vector<256x1xf32>
    %eq3A_563 = vector.broadcast %broadcast_in_dim3A_562 : vector<256x1xf32> to vector<256x2048xf32>
    %eq3A_564 = arith.cmpf oeq, %select_n3A_559, %eq3A_563 : vector<256x2048xf32>
    %jit3A_565 = arith.constant 2048 : i32
    %broadcast_in_dim3A_566 = vector.broadcast %jit3A_565 : i32 to vector<256x2048xi32>
    %select_n3A_567 = arith.select %eq3A_564, %iota3A, %broadcast_in_dim3A_566 : vector<256x2048xi1>, vector<256x2048xi32>
    %reduce_min3A_568 = arith.constant dense<2147483647> : vector<256xi32>
    %reduce_min3A_569 = vector.multi_reduction <minsi>, %select_n3A_567, %reduce_min3A_568 [1] : vector<256x2048xi32> to vector<256xi32>
    %broadcast_in_dim3A_570 = vector.shape_cast %reduce_min3A_569 : vector<256xi32> to vector<256x1xi32>
    %eq3A_571 = arith.constant 19 : i32
    %eq3A_572 = vector.broadcast %eq3A_571 : i32 to vector<256x32xi32>
    %eq3A_573 = arith.cmpi eq, %iota3A_28, %eq3A_572 : vector<256x32xi32>
    %broadcast_in_dim3A_574 = vector.shape_cast %broadcast_in_dim3A_562 : vector<256x1xf32> to vector<256x1xf32>
    %broadcast_in_dim3A_575 = vector.broadcast %broadcast_in_dim3A_574 : vector<256x1xf32> to vector<256x32xf32>
    %select_n3A_576 = arith.select %eq3A_573, %broadcast_in_dim3A_575, %select_n3A_548 : vector<256x32xi1>, vector<256x32xf32>
    %eq3A_577 = arith.constant 19 : i32
    %eq3A_578 = vector.broadcast %eq3A_577 : i32 to vector<256x32xi32>
    %eq3A_579 = arith.cmpi eq, %iota3A_28, %eq3A_578 : vector<256x32xi32>
    %broadcast_in_dim3A_580 = vector.shape_cast %broadcast_in_dim3A_570 : vector<256x1xi32> to vector<256x1xi32>
    %broadcast_in_dim3A_581 = vector.broadcast %broadcast_in_dim3A_580 : vector<256x1xi32> to vector<256x32xi32>
    %select_n3A_582 = arith.select %eq3A_579, %broadcast_in_dim3A_581, %select_n3A_554 : vector<256x32xi1>, vector<256x32xi32>
    %eq3A_583 = vector.broadcast %broadcast_in_dim3A_570 : vector<256x1xi32> to vector<256x2048xi32>
    %eq3A_584 = arith.cmpi eq, %iota3A, %eq3A_583 : vector<256x2048xi32>
    %jit3A_585 = arith.constant 0x7F800000 : f32
    %broadcast_in_dim3A_586 = vector.broadcast %jit3A_585 : f32 to vector<256x2048xf32>
    %select_n3A_587 = arith.select %eq3A_584, %broadcast_in_dim3A_586, %select_n3A_559 : vector<256x2048xi1>, vector<256x2048xf32>
    %reduce_min3A_588 = arith.constant dense<0x7F800000> : vector<256xf32>
    %reduce_min3A_589 = vector.multi_reduction <minimumf>, %select_n3A_587, %reduce_min3A_588 [1] : vector<256x2048xf32> to vector<256xf32>
    %broadcast_in_dim3A_590 = vector.shape_cast %reduce_min3A_589 : vector<256xf32> to vector<256x1xf32>
    %eq3A_591 = vector.broadcast %broadcast_in_dim3A_590 : vector<256x1xf32> to vector<256x2048xf32>
    %eq3A_592 = arith.cmpf oeq, %select_n3A_587, %eq3A_591 : vector<256x2048xf32>
    %jit3A_593 = arith.constant 2048 : i32
    %broadcast_in_dim3A_594 = vector.broadcast %jit3A_593 : i32 to vector<256x2048xi32>
    %select_n3A_595 = arith.select %eq3A_592, %iota3A, %broadcast_in_dim3A_594 : vector<256x2048xi1>, vector<256x2048xi32>
    %reduce_min3A_596 = arith.constant dense<2147483647> : vector<256xi32>
    %reduce_min3A_597 = vector.multi_reduction <minsi>, %select_n3A_595, %reduce_min3A_596 [1] : vector<256x2048xi32> to vector<256xi32>
    %broadcast_in_dim3A_598 = vector.shape_cast %reduce_min3A_597 : vector<256xi32> to vector<256x1xi32>
    %eq3A_599 = arith.constant 20 : i32
    %eq3A_600 = vector.broadcast %eq3A_599 : i32 to vector<256x32xi32>
    %eq3A_601 = arith.cmpi eq, %iota3A_28, %eq3A_600 : vector<256x32xi32>
    %broadcast_in_dim3A_602 = vector.shape_cast %broadcast_in_dim3A_590 : vector<256x1xf32> to vector<256x1xf32>
    %broadcast_in_dim3A_603 = vector.broadcast %broadcast_in_dim3A_602 : vector<256x1xf32> to vector<256x32xf32>
    %select_n3A_604 = arith.select %eq3A_601, %broadcast_in_dim3A_603, %select_n3A_576 : vector<256x32xi1>, vector<256x32xf32>
    %eq3A_605 = arith.constant 20 : i32
    %eq3A_606 = vector.broadcast %eq3A_605 : i32 to vector<256x32xi32>
    %eq3A_607 = arith.cmpi eq, %iota3A_28, %eq3A_606 : vector<256x32xi32>
    %broadcast_in_dim3A_608 = vector.shape_cast %broadcast_in_dim3A_598 : vector<256x1xi32> to vector<256x1xi32>
    %broadcast_in_dim3A_609 = vector.broadcast %broadcast_in_dim3A_608 : vector<256x1xi32> to vector<256x32xi32>
    %select_n3A_610 = arith.select %eq3A_607, %broadcast_in_dim3A_609, %select_n3A_582 : vector<256x32xi1>, vector<256x32xi32>
    %eq3A_611 = vector.broadcast %broadcast_in_dim3A_598 : vector<256x1xi32> to vector<256x2048xi32>
    %eq3A_612 = arith.cmpi eq, %iota3A, %eq3A_611 : vector<256x2048xi32>
    %jit3A_613 = arith.constant 0x7F800000 : f32
    %broadcast_in_dim3A_614 = vector.broadcast %jit3A_613 : f32 to vector<256x2048xf32>
    %select_n3A_615 = arith.select %eq3A_612, %broadcast_in_dim3A_614, %select_n3A_587 : vector<256x2048xi1>, vector<256x2048xf32>
    %reduce_min3A_616 = arith.constant dense<0x7F800000> : vector<256xf32>
    %reduce_min3A_617 = vector.multi_reduction <minimumf>, %select_n3A_615, %reduce_min3A_616 [1] : vector<256x2048xf32> to vector<256xf32>
    %broadcast_in_dim3A_618 = vector.shape_cast %reduce_min3A_617 : vector<256xf32> to vector<256x1xf32>
    %eq3A_619 = vector.broadcast %broadcast_in_dim3A_618 : vector<256x1xf32> to vector<256x2048xf32>
    %eq3A_620 = arith.cmpf oeq, %select_n3A_615, %eq3A_619 : vector<256x2048xf32>
    %jit3A_621 = arith.constant 2048 : i32
    %broadcast_in_dim3A_622 = vector.broadcast %jit3A_621 : i32 to vector<256x2048xi32>
    %select_n3A_623 = arith.select %eq3A_620, %iota3A, %broadcast_in_dim3A_622 : vector<256x2048xi1>, vector<256x2048xi32>
    %reduce_min3A_624 = arith.constant dense<2147483647> : vector<256xi32>
    %reduce_min3A_625 = vector.multi_reduction <minsi>, %select_n3A_623, %reduce_min3A_624 [1] : vector<256x2048xi32> to vector<256xi32>
    %broadcast_in_dim3A_626 = vector.shape_cast %reduce_min3A_625 : vector<256xi32> to vector<256x1xi32>
    %eq3A_627 = arith.constant 21 : i32
    %eq3A_628 = vector.broadcast %eq3A_627 : i32 to vector<256x32xi32>
    %eq3A_629 = arith.cmpi eq, %iota3A_28, %eq3A_628 : vector<256x32xi32>
    %broadcast_in_dim3A_630 = vector.shape_cast %broadcast_in_dim3A_618 : vector<256x1xf32> to vector<256x1xf32>
    %broadcast_in_dim3A_631 = vector.broadcast %broadcast_in_dim3A_630 : vector<256x1xf32> to vector<256x32xf32>
    %select_n3A_632 = arith.select %eq3A_629, %broadcast_in_dim3A_631, %select_n3A_604 : vector<256x32xi1>, vector<256x32xf32>
    %eq3A_633 = arith.constant 21 : i32
    %eq3A_634 = vector.broadcast %eq3A_633 : i32 to vector<256x32xi32>
    %eq3A_635 = arith.cmpi eq, %iota3A_28, %eq3A_634 : vector<256x32xi32>
    %broadcast_in_dim3A_636 = vector.shape_cast %broadcast_in_dim3A_626 : vector<256x1xi32> to vector<256x1xi32>
    %broadcast_in_dim3A_637 = vector.broadcast %broadcast_in_dim3A_636 : vector<256x1xi32> to vector<256x32xi32>
    %select_n3A_638 = arith.select %eq3A_635, %broadcast_in_dim3A_637, %select_n3A_610 : vector<256x32xi1>, vector<256x32xi32>
    %eq3A_639 = vector.broadcast %broadcast_in_dim3A_626 : vector<256x1xi32> to vector<256x2048xi32>
    %eq3A_640 = arith.cmpi eq, %iota3A, %eq3A_639 : vector<256x2048xi32>
    %jit3A_641 = arith.constant 0x7F800000 : f32
    %broadcast_in_dim3A_642 = vector.broadcast %jit3A_641 : f32 to vector<256x2048xf32>
    %select_n3A_643 = arith.select %eq3A_640, %broadcast_in_dim3A_642, %select_n3A_615 : vector<256x2048xi1>, vector<256x2048xf32>
    %reduce_min3A_644 = arith.constant dense<0x7F800000> : vector<256xf32>
    %reduce_min3A_645 = vector.multi_reduction <minimumf>, %select_n3A_643, %reduce_min3A_644 [1] : vector<256x2048xf32> to vector<256xf32>
    %broadcast_in_dim3A_646 = vector.shape_cast %reduce_min3A_645 : vector<256xf32> to vector<256x1xf32>
    %eq3A_647 = vector.broadcast %broadcast_in_dim3A_646 : vector<256x1xf32> to vector<256x2048xf32>
    %eq3A_648 = arith.cmpf oeq, %select_n3A_643, %eq3A_647 : vector<256x2048xf32>
    %jit3A_649 = arith.constant 2048 : i32
    %broadcast_in_dim3A_650 = vector.broadcast %jit3A_649 : i32 to vector<256x2048xi32>
    %select_n3A_651 = arith.select %eq3A_648, %iota3A, %broadcast_in_dim3A_650 : vector<256x2048xi1>, vector<256x2048xi32>
    %reduce_min3A_652 = arith.constant dense<2147483647> : vector<256xi32>
    %reduce_min3A_653 = vector.multi_reduction <minsi>, %select_n3A_651, %reduce_min3A_652 [1] : vector<256x2048xi32> to vector<256xi32>
    %broadcast_in_dim3A_654 = vector.shape_cast %reduce_min3A_653 : vector<256xi32> to vector<256x1xi32>
    %eq3A_655 = arith.constant 22 : i32
    %eq3A_656 = vector.broadcast %eq3A_655 : i32 to vector<256x32xi32>
    %eq3A_657 = arith.cmpi eq, %iota3A_28, %eq3A_656 : vector<256x32xi32>
    %broadcast_in_dim3A_658 = vector.shape_cast %broadcast_in_dim3A_646 : vector<256x1xf32> to vector<256x1xf32>
    %broadcast_in_dim3A_659 = vector.broadcast %broadcast_in_dim3A_658 : vector<256x1xf32> to vector<256x32xf32>
    %select_n3A_660 = arith.select %eq3A_657, %broadcast_in_dim3A_659, %select_n3A_632 : vector<256x32xi1>, vector<256x32xf32>
    %eq3A_661 = arith.constant 22 : i32
    %eq3A_662 = vector.broadcast %eq3A_661 : i32 to vector<256x32xi32>
    %eq3A_663 = arith.cmpi eq, %iota3A_28, %eq3A_662 : vector<256x32xi32>
    %broadcast_in_dim3A_664 = vector.shape_cast %broadcast_in_dim3A_654 : vector<256x1xi32> to vector<256x1xi32>
    %broadcast_in_dim3A_665 = vector.broadcast %broadcast_in_dim3A_664 : vector<256x1xi32> to vector<256x32xi32>
    %select_n3A_666 = arith.select %eq3A_663, %broadcast_in_dim3A_665, %select_n3A_638 : vector<256x32xi1>, vector<256x32xi32>
    %eq3A_667 = vector.broadcast %broadcast_in_dim3A_654 : vector<256x1xi32> to vector<256x2048xi32>
    %eq3A_668 = arith.cmpi eq, %iota3A, %eq3A_667 : vector<256x2048xi32>
    %jit3A_669 = arith.constant 0x7F800000 : f32
    %broadcast_in_dim3A_670 = vector.broadcast %jit3A_669 : f32 to vector<256x2048xf32>
    %select_n3A_671 = arith.select %eq3A_668, %broadcast_in_dim3A_670, %select_n3A_643 : vector<256x2048xi1>, vector<256x2048xf32>
    %reduce_min3A_672 = arith.constant dense<0x7F800000> : vector<256xf32>
    %reduce_min3A_673 = vector.multi_reduction <minimumf>, %select_n3A_671, %reduce_min3A_672 [1] : vector<256x2048xf32> to vector<256xf32>
    %broadcast_in_dim3A_674 = vector.shape_cast %reduce_min3A_673 : vector<256xf32> to vector<256x1xf32>
    %eq3A_675 = vector.broadcast %broadcast_in_dim3A_674 : vector<256x1xf32> to vector<256x2048xf32>
    %eq3A_676 = arith.cmpf oeq, %select_n3A_671, %eq3A_675 : vector<256x2048xf32>
    %jit3A_677 = arith.constant 2048 : i32
    %broadcast_in_dim3A_678 = vector.broadcast %jit3A_677 : i32 to vector<256x2048xi32>
    %select_n3A_679 = arith.select %eq3A_676, %iota3A, %broadcast_in_dim3A_678 : vector<256x2048xi1>, vector<256x2048xi32>
    %reduce_min3A_680 = arith.constant dense<2147483647> : vector<256xi32>
    %reduce_min3A_681 = vector.multi_reduction <minsi>, %select_n3A_679, %reduce_min3A_680 [1] : vector<256x2048xi32> to vector<256xi32>
    %broadcast_in_dim3A_682 = vector.shape_cast %reduce_min3A_681 : vector<256xi32> to vector<256x1xi32>
    %eq3A_683 = arith.constant 23 : i32
    %eq3A_684 = vector.broadcast %eq3A_683 : i32 to vector<256x32xi32>
    %eq3A_685 = arith.cmpi eq, %iota3A_28, %eq3A_684 : vector<256x32xi32>
    %broadcast_in_dim3A_686 = vector.shape_cast %broadcast_in_dim3A_674 : vector<256x1xf32> to vector<256x1xf32>
    %broadcast_in_dim3A_687 = vector.broadcast %broadcast_in_dim3A_686 : vector<256x1xf32> to vector<256x32xf32>
    %select_n3A_688 = arith.select %eq3A_685, %broadcast_in_dim3A_687, %select_n3A_660 : vector<256x32xi1>, vector<256x32xf32>
    %eq3A_689 = arith.constant 23 : i32
    %eq3A_690 = vector.broadcast %eq3A_689 : i32 to vector<256x32xi32>
    %eq3A_691 = arith.cmpi eq, %iota3A_28, %eq3A_690 : vector<256x32xi32>
    %broadcast_in_dim3A_692 = vector.shape_cast %broadcast_in_dim3A_682 : vector<256x1xi32> to vector<256x1xi32>
    %broadcast_in_dim3A_693 = vector.broadcast %broadcast_in_dim3A_692 : vector<256x1xi32> to vector<256x32xi32>
    %select_n3A_694 = arith.select %eq3A_691, %broadcast_in_dim3A_693, %select_n3A_666 : vector<256x32xi1>, vector<256x32xi32>
    %eq3A_695 = vector.broadcast %broadcast_in_dim3A_682 : vector<256x1xi32> to vector<256x2048xi32>
    %eq3A_696 = arith.cmpi eq, %iota3A, %eq3A_695 : vector<256x2048xi32>
    %jit3A_697 = arith.constant 0x7F800000 : f32
    %broadcast_in_dim3A_698 = vector.broadcast %jit3A_697 : f32 to vector<256x2048xf32>
    %select_n3A_699 = arith.select %eq3A_696, %broadcast_in_dim3A_698, %select_n3A_671 : vector<256x2048xi1>, vector<256x2048xf32>
    %reduce_min3A_700 = arith.constant dense<0x7F800000> : vector<256xf32>
    %reduce_min3A_701 = vector.multi_reduction <minimumf>, %select_n3A_699, %reduce_min3A_700 [1] : vector<256x2048xf32> to vector<256xf32>
    %broadcast_in_dim3A_702 = vector.shape_cast %reduce_min3A_701 : vector<256xf32> to vector<256x1xf32>
    %eq3A_703 = vector.broadcast %broadcast_in_dim3A_702 : vector<256x1xf32> to vector<256x2048xf32>
    %eq3A_704 = arith.cmpf oeq, %select_n3A_699, %eq3A_703 : vector<256x2048xf32>
    %jit3A_705 = arith.constant 2048 : i32
    %broadcast_in_dim3A_706 = vector.broadcast %jit3A_705 : i32 to vector<256x2048xi32>
    %select_n3A_707 = arith.select %eq3A_704, %iota3A, %broadcast_in_dim3A_706 : vector<256x2048xi1>, vector<256x2048xi32>
    %reduce_min3A_708 = arith.constant dense<2147483647> : vector<256xi32>
    %reduce_min3A_709 = vector.multi_reduction <minsi>, %select_n3A_707, %reduce_min3A_708 [1] : vector<256x2048xi32> to vector<256xi32>
    %broadcast_in_dim3A_710 = vector.shape_cast %reduce_min3A_709 : vector<256xi32> to vector<256x1xi32>
    %eq3A_711 = arith.constant 24 : i32
    %eq3A_712 = vector.broadcast %eq3A_711 : i32 to vector<256x32xi32>
    %eq3A_713 = arith.cmpi eq, %iota3A_28, %eq3A_712 : vector<256x32xi32>
    %broadcast_in_dim3A_714 = vector.shape_cast %broadcast_in_dim3A_702 : vector<256x1xf32> to vector<256x1xf32>
    %broadcast_in_dim3A_715 = vector.broadcast %broadcast_in_dim3A_714 : vector<256x1xf32> to vector<256x32xf32>
    %select_n3A_716 = arith.select %eq3A_713, %broadcast_in_dim3A_715, %select_n3A_688 : vector<256x32xi1>, vector<256x32xf32>
    %eq3A_717 = arith.constant 24 : i32
    %eq3A_718 = vector.broadcast %eq3A_717 : i32 to vector<256x32xi32>
    %eq3A_719 = arith.cmpi eq, %iota3A_28, %eq3A_718 : vector<256x32xi32>
    %broadcast_in_dim3A_720 = vector.shape_cast %broadcast_in_dim3A_710 : vector<256x1xi32> to vector<256x1xi32>
    %broadcast_in_dim3A_721 = vector.broadcast %broadcast_in_dim3A_720 : vector<256x1xi32> to vector<256x32xi32>
    %select_n3A_722 = arith.select %eq3A_719, %broadcast_in_dim3A_721, %select_n3A_694 : vector<256x32xi1>, vector<256x32xi32>
    %eq3A_723 = vector.broadcast %broadcast_in_dim3A_710 : vector<256x1xi32> to vector<256x2048xi32>
    %eq3A_724 = arith.cmpi eq, %iota3A, %eq3A_723 : vector<256x2048xi32>
    %jit3A_725 = arith.constant 0x7F800000 : f32
    %broadcast_in_dim3A_726 = vector.broadcast %jit3A_725 : f32 to vector<256x2048xf32>
    %select_n3A_727 = arith.select %eq3A_724, %broadcast_in_dim3A_726, %select_n3A_699 : vector<256x2048xi1>, vector<256x2048xf32>
    %reduce_min3A_728 = arith.constant dense<0x7F800000> : vector<256xf32>
    %reduce_min3A_729 = vector.multi_reduction <minimumf>, %select_n3A_727, %reduce_min3A_728 [1] : vector<256x2048xf32> to vector<256xf32>
    %broadcast_in_dim3A_730 = vector.shape_cast %reduce_min3A_729 : vector<256xf32> to vector<256x1xf32>
    %eq3A_731 = vector.broadcast %broadcast_in_dim3A_730 : vector<256x1xf32> to vector<256x2048xf32>
    %eq3A_732 = arith.cmpf oeq, %select_n3A_727, %eq3A_731 : vector<256x2048xf32>
    %jit3A_733 = arith.constant 2048 : i32
    %broadcast_in_dim3A_734 = vector.broadcast %jit3A_733 : i32 to vector<256x2048xi32>
    %select_n3A_735 = arith.select %eq3A_732, %iota3A, %broadcast_in_dim3A_734 : vector<256x2048xi1>, vector<256x2048xi32>
    %reduce_min3A_736 = arith.constant dense<2147483647> : vector<256xi32>
    %reduce_min3A_737 = vector.multi_reduction <minsi>, %select_n3A_735, %reduce_min3A_736 [1] : vector<256x2048xi32> to vector<256xi32>
    %broadcast_in_dim3A_738 = vector.shape_cast %reduce_min3A_737 : vector<256xi32> to vector<256x1xi32>
    %eq3A_739 = arith.constant 25 : i32
    %eq3A_740 = vector.broadcast %eq3A_739 : i32 to vector<256x32xi32>
    %eq3A_741 = arith.cmpi eq, %iota3A_28, %eq3A_740 : vector<256x32xi32>
    %broadcast_in_dim3A_742 = vector.shape_cast %broadcast_in_dim3A_730 : vector<256x1xf32> to vector<256x1xf32>
    %broadcast_in_dim3A_743 = vector.broadcast %broadcast_in_dim3A_742 : vector<256x1xf32> to vector<256x32xf32>
    %select_n3A_744 = arith.select %eq3A_741, %broadcast_in_dim3A_743, %select_n3A_716 : vector<256x32xi1>, vector<256x32xf32>
    %eq3A_745 = arith.constant 25 : i32
    %eq3A_746 = vector.broadcast %eq3A_745 : i32 to vector<256x32xi32>
    %eq3A_747 = arith.cmpi eq, %iota3A_28, %eq3A_746 : vector<256x32xi32>
    %broadcast_in_dim3A_748 = vector.shape_cast %broadcast_in_dim3A_738 : vector<256x1xi32> to vector<256x1xi32>
    %broadcast_in_dim3A_749 = vector.broadcast %broadcast_in_dim3A_748 : vector<256x1xi32> to vector<256x32xi32>
    %select_n3A_750 = arith.select %eq3A_747, %broadcast_in_dim3A_749, %select_n3A_722 : vector<256x32xi1>, vector<256x32xi32>
    %eq3A_751 = vector.broadcast %broadcast_in_dim3A_738 : vector<256x1xi32> to vector<256x2048xi32>
    %eq3A_752 = arith.cmpi eq, %iota3A, %eq3A_751 : vector<256x2048xi32>
    %jit3A_753 = arith.constant 0x7F800000 : f32
    %broadcast_in_dim3A_754 = vector.broadcast %jit3A_753 : f32 to vector<256x2048xf32>
    %select_n3A_755 = arith.select %eq3A_752, %broadcast_in_dim3A_754, %select_n3A_727 : vector<256x2048xi1>, vector<256x2048xf32>
    %reduce_min3A_756 = arith.constant dense<0x7F800000> : vector<256xf32>
    %reduce_min3A_757 = vector.multi_reduction <minimumf>, %select_n3A_755, %reduce_min3A_756 [1] : vector<256x2048xf32> to vector<256xf32>
    %broadcast_in_dim3A_758 = vector.shape_cast %reduce_min3A_757 : vector<256xf32> to vector<256x1xf32>
    %eq3A_759 = vector.broadcast %broadcast_in_dim3A_758 : vector<256x1xf32> to vector<256x2048xf32>
    %eq3A_760 = arith.cmpf oeq, %select_n3A_755, %eq3A_759 : vector<256x2048xf32>
    %jit3A_761 = arith.constant 2048 : i32
    %broadcast_in_dim3A_762 = vector.broadcast %jit3A_761 : i32 to vector<256x2048xi32>
    %select_n3A_763 = arith.select %eq3A_760, %iota3A, %broadcast_in_dim3A_762 : vector<256x2048xi1>, vector<256x2048xi32>
    %reduce_min3A_764 = arith.constant dense<2147483647> : vector<256xi32>
    %reduce_min3A_765 = vector.multi_reduction <minsi>, %select_n3A_763, %reduce_min3A_764 [1] : vector<256x2048xi32> to vector<256xi32>
    %broadcast_in_dim3A_766 = vector.shape_cast %reduce_min3A_765 : vector<256xi32> to vector<256x1xi32>
    %eq3A_767 = arith.constant 26 : i32
    %eq3A_768 = vector.broadcast %eq3A_767 : i32 to vector<256x32xi32>
    %eq3A_769 = arith.cmpi eq, %iota3A_28, %eq3A_768 : vector<256x32xi32>
    %broadcast_in_dim3A_770 = vector.shape_cast %broadcast_in_dim3A_758 : vector<256x1xf32> to vector<256x1xf32>
    %broadcast_in_dim3A_771 = vector.broadcast %broadcast_in_dim3A_770 : vector<256x1xf32> to vector<256x32xf32>
    %select_n3A_772 = arith.select %eq3A_769, %broadcast_in_dim3A_771, %select_n3A_744 : vector<256x32xi1>, vector<256x32xf32>
    %eq3A_773 = arith.constant 26 : i32
    %eq3A_774 = vector.broadcast %eq3A_773 : i32 to vector<256x32xi32>
    %eq3A_775 = arith.cmpi eq, %iota3A_28, %eq3A_774 : vector<256x32xi32>
    %broadcast_in_dim3A_776 = vector.shape_cast %broadcast_in_dim3A_766 : vector<256x1xi32> to vector<256x1xi32>
    %broadcast_in_dim3A_777 = vector.broadcast %broadcast_in_dim3A_776 : vector<256x1xi32> to vector<256x32xi32>
    %select_n3A_778 = arith.select %eq3A_775, %broadcast_in_dim3A_777, %select_n3A_750 : vector<256x32xi1>, vector<256x32xi32>
    %eq3A_779 = vector.broadcast %broadcast_in_dim3A_766 : vector<256x1xi32> to vector<256x2048xi32>
    %eq3A_780 = arith.cmpi eq, %iota3A, %eq3A_779 : vector<256x2048xi32>
    %jit3A_781 = arith.constant 0x7F800000 : f32
    %broadcast_in_dim3A_782 = vector.broadcast %jit3A_781 : f32 to vector<256x2048xf32>
    %select_n3A_783 = arith.select %eq3A_780, %broadcast_in_dim3A_782, %select_n3A_755 : vector<256x2048xi1>, vector<256x2048xf32>
    %reduce_min3A_784 = arith.constant dense<0x7F800000> : vector<256xf32>
    %reduce_min3A_785 = vector.multi_reduction <minimumf>, %select_n3A_783, %reduce_min3A_784 [1] : vector<256x2048xf32> to vector<256xf32>
    %broadcast_in_dim3A_786 = vector.shape_cast %reduce_min3A_785 : vector<256xf32> to vector<256x1xf32>
    %eq3A_787 = vector.broadcast %broadcast_in_dim3A_786 : vector<256x1xf32> to vector<256x2048xf32>
    %eq3A_788 = arith.cmpf oeq, %select_n3A_783, %eq3A_787 : vector<256x2048xf32>
    %jit3A_789 = arith.constant 2048 : i32
    %broadcast_in_dim3A_790 = vector.broadcast %jit3A_789 : i32 to vector<256x2048xi32>
    %select_n3A_791 = arith.select %eq3A_788, %iota3A, %broadcast_in_dim3A_790 : vector<256x2048xi1>, vector<256x2048xi32>
    %reduce_min3A_792 = arith.constant dense<2147483647> : vector<256xi32>
    %reduce_min3A_793 = vector.multi_reduction <minsi>, %select_n3A_791, %reduce_min3A_792 [1] : vector<256x2048xi32> to vector<256xi32>
    %broadcast_in_dim3A_794 = vector.shape_cast %reduce_min3A_793 : vector<256xi32> to vector<256x1xi32>
    %eq3A_795 = arith.constant 27 : i32
    %eq3A_796 = vector.broadcast %eq3A_795 : i32 to vector<256x32xi32>
    %eq3A_797 = arith.cmpi eq, %iota3A_28, %eq3A_796 : vector<256x32xi32>
    %broadcast_in_dim3A_798 = vector.shape_cast %broadcast_in_dim3A_786 : vector<256x1xf32> to vector<256x1xf32>
    %broadcast_in_dim3A_799 = vector.broadcast %broadcast_in_dim3A_798 : vector<256x1xf32> to vector<256x32xf32>
    %select_n3A_800 = arith.select %eq3A_797, %broadcast_in_dim3A_799, %select_n3A_772 : vector<256x32xi1>, vector<256x32xf32>
    %eq3A_801 = arith.constant 27 : i32
    %eq3A_802 = vector.broadcast %eq3A_801 : i32 to vector<256x32xi32>
    %eq3A_803 = arith.cmpi eq, %iota3A_28, %eq3A_802 : vector<256x32xi32>
    %broadcast_in_dim3A_804 = vector.shape_cast %broadcast_in_dim3A_794 : vector<256x1xi32> to vector<256x1xi32>
    %broadcast_in_dim3A_805 = vector.broadcast %broadcast_in_dim3A_804 : vector<256x1xi32> to vector<256x32xi32>
    %select_n3A_806 = arith.select %eq3A_803, %broadcast_in_dim3A_805, %select_n3A_778 : vector<256x32xi1>, vector<256x32xi32>
    %eq3A_807 = vector.broadcast %broadcast_in_dim3A_794 : vector<256x1xi32> to vector<256x2048xi32>
    %eq3A_808 = arith.cmpi eq, %iota3A, %eq3A_807 : vector<256x2048xi32>
    %jit3A_809 = arith.constant 0x7F800000 : f32
    %broadcast_in_dim3A_810 = vector.broadcast %jit3A_809 : f32 to vector<256x2048xf32>
    %select_n3A_811 = arith.select %eq3A_808, %broadcast_in_dim3A_810, %select_n3A_783 : vector<256x2048xi1>, vector<256x2048xf32>
    %reduce_min3A_812 = arith.constant dense<0x7F800000> : vector<256xf32>
    %reduce_min3A_813 = vector.multi_reduction <minimumf>, %select_n3A_811, %reduce_min3A_812 [1] : vector<256x2048xf32> to vector<256xf32>
    %broadcast_in_dim3A_814 = vector.shape_cast %reduce_min3A_813 : vector<256xf32> to vector<256x1xf32>
    %eq3A_815 = vector.broadcast %broadcast_in_dim3A_814 : vector<256x1xf32> to vector<256x2048xf32>
    %eq3A_816 = arith.cmpf oeq, %select_n3A_811, %eq3A_815 : vector<256x2048xf32>
    %jit3A_817 = arith.constant 2048 : i32
    %broadcast_in_dim3A_818 = vector.broadcast %jit3A_817 : i32 to vector<256x2048xi32>
    %select_n3A_819 = arith.select %eq3A_816, %iota3A, %broadcast_in_dim3A_818 : vector<256x2048xi1>, vector<256x2048xi32>
    %reduce_min3A_820 = arith.constant dense<2147483647> : vector<256xi32>
    %reduce_min3A_821 = vector.multi_reduction <minsi>, %select_n3A_819, %reduce_min3A_820 [1] : vector<256x2048xi32> to vector<256xi32>
    %broadcast_in_dim3A_822 = vector.shape_cast %reduce_min3A_821 : vector<256xi32> to vector<256x1xi32>
    %eq3A_823 = arith.constant 28 : i32
    %eq3A_824 = vector.broadcast %eq3A_823 : i32 to vector<256x32xi32>
    %eq3A_825 = arith.cmpi eq, %iota3A_28, %eq3A_824 : vector<256x32xi32>
    %broadcast_in_dim3A_826 = vector.shape_cast %broadcast_in_dim3A_814 : vector<256x1xf32> to vector<256x1xf32>
    %broadcast_in_dim3A_827 = vector.broadcast %broadcast_in_dim3A_826 : vector<256x1xf32> to vector<256x32xf32>
    %select_n3A_828 = arith.select %eq3A_825, %broadcast_in_dim3A_827, %select_n3A_800 : vector<256x32xi1>, vector<256x32xf32>
    %eq3A_829 = arith.constant 28 : i32
    %eq3A_830 = vector.broadcast %eq3A_829 : i32 to vector<256x32xi32>
    %eq3A_831 = arith.cmpi eq, %iota3A_28, %eq3A_830 : vector<256x32xi32>
    %broadcast_in_dim3A_832 = vector.shape_cast %broadcast_in_dim3A_822 : vector<256x1xi32> to vector<256x1xi32>
    %broadcast_in_dim3A_833 = vector.broadcast %broadcast_in_dim3A_832 : vector<256x1xi32> to vector<256x32xi32>
    %select_n3A_834 = arith.select %eq3A_831, %broadcast_in_dim3A_833, %select_n3A_806 : vector<256x32xi1>, vector<256x32xi32>
    %eq3A_835 = vector.broadcast %broadcast_in_dim3A_822 : vector<256x1xi32> to vector<256x2048xi32>
    %eq3A_836 = arith.cmpi eq, %iota3A, %eq3A_835 : vector<256x2048xi32>
    %jit3A_837 = arith.constant 0x7F800000 : f32
    %broadcast_in_dim3A_838 = vector.broadcast %jit3A_837 : f32 to vector<256x2048xf32>
    %select_n3A_839 = arith.select %eq3A_836, %broadcast_in_dim3A_838, %select_n3A_811 : vector<256x2048xi1>, vector<256x2048xf32>
    %reduce_min3A_840 = arith.constant dense<0x7F800000> : vector<256xf32>
    %reduce_min3A_841 = vector.multi_reduction <minimumf>, %select_n3A_839, %reduce_min3A_840 [1] : vector<256x2048xf32> to vector<256xf32>
    %broadcast_in_dim3A_842 = vector.shape_cast %reduce_min3A_841 : vector<256xf32> to vector<256x1xf32>
    %eq3A_843 = vector.broadcast %broadcast_in_dim3A_842 : vector<256x1xf32> to vector<256x2048xf32>
    %eq3A_844 = arith.cmpf oeq, %select_n3A_839, %eq3A_843 : vector<256x2048xf32>
    %jit3A_845 = arith.constant 2048 : i32
    %broadcast_in_dim3A_846 = vector.broadcast %jit3A_845 : i32 to vector<256x2048xi32>
    %select_n3A_847 = arith.select %eq3A_844, %iota3A, %broadcast_in_dim3A_846 : vector<256x2048xi1>, vector<256x2048xi32>
    %reduce_min3A_848 = arith.constant dense<2147483647> : vector<256xi32>
    %reduce_min3A_849 = vector.multi_reduction <minsi>, %select_n3A_847, %reduce_min3A_848 [1] : vector<256x2048xi32> to vector<256xi32>
    %broadcast_in_dim3A_850 = vector.shape_cast %reduce_min3A_849 : vector<256xi32> to vector<256x1xi32>
    %eq3A_851 = arith.constant 29 : i32
    %eq3A_852 = vector.broadcast %eq3A_851 : i32 to vector<256x32xi32>
    %eq3A_853 = arith.cmpi eq, %iota3A_28, %eq3A_852 : vector<256x32xi32>
    %broadcast_in_dim3A_854 = vector.shape_cast %broadcast_in_dim3A_842 : vector<256x1xf32> to vector<256x1xf32>
    %broadcast_in_dim3A_855 = vector.broadcast %broadcast_in_dim3A_854 : vector<256x1xf32> to vector<256x32xf32>
    %select_n3A_856 = arith.select %eq3A_853, %broadcast_in_dim3A_855, %select_n3A_828 : vector<256x32xi1>, vector<256x32xf32>
    %eq3A_857 = arith.constant 29 : i32
    %eq3A_858 = vector.broadcast %eq3A_857 : i32 to vector<256x32xi32>
    %eq3A_859 = arith.cmpi eq, %iota3A_28, %eq3A_858 : vector<256x32xi32>
    %broadcast_in_dim3A_860 = vector.shape_cast %broadcast_in_dim3A_850 : vector<256x1xi32> to vector<256x1xi32>
    %broadcast_in_dim3A_861 = vector.broadcast %broadcast_in_dim3A_860 : vector<256x1xi32> to vector<256x32xi32>
    %select_n3A_862 = arith.select %eq3A_859, %broadcast_in_dim3A_861, %select_n3A_834 : vector<256x32xi1>, vector<256x32xi32>
    %swap3A = arith.constant 0 : index
    %swap3A_863 = arith.constant 0 : index
    %swap3A_864 = arith.constant 0 : index
    %swap3A_865 = vector.load %arg4[%swap3A, %swap3A_863, %swap3A_864] : memref<1x256x32xf32, #tpu.memory_space<vmem>>, vector<1x256x32xf32>
    %swap3A_866 = vector.shape_cast %swap3A_865 : vector<1x256x32xf32> to vector<256x32xf32>
    %swap3A_867 = vector.shape_cast %select_n3A_856 : vector<256x32xf32> to vector<1x256x32xf32>
    tpu.vector_store %arg4[%swap3A, %swap3A_863, %swap3A_864], %swap3A_867 {strides = array<i32>} : memref<1x256x32xf32, #tpu.memory_space<vmem>>, vector<1x256x32xf32>,
    %swap3A_868 = arith.constant 0 : index
    %swap3A_869 = arith.constant 0 : index
    %swap3A_870 = arith.constant 0 : index
    %swap3A_871 = vector.load %arg5[%swap3A_868, %swap3A_869, %swap3A_870] : memref<1x256x32xi32, #tpu.memory_space<vmem>>, vector<1x256x32xi32>
    %swap3A_872 = vector.shape_cast %swap3A_871 : vector<1x256x32xi32> to vector<256x32xi32>
    %swap3A_873 = vector.shape_cast %select_n3A_862 : vector<256x32xi32> to vector<1x256x32xi32>
    tpu.vector_store %arg5[%swap3A_868, %swap3A_869, %swap3A_870], %swap3A_873 {strides = array<i32>} : memref<1x256x32xi32, #tpu.memory_space<vmem>>, vector<1x256x32xi32>,
    return
  }
  func.func @transform_0(%arg0: i32, %arg1: i32) -> (i32, i32, i32) {
    %c0_i32 = arith.constant 0 : i32
    %c0_i32_0 = arith.constant 0 : i32
    return %arg0, %arg1, %c0_i32 : i32, i32, i32
  }
  func.func @transform_1(%arg0: i32, %arg1: i32) -> (i32, i32, i32) {
    %c0_i32 = arith.constant 0 : i32
    %c0_i32_0 = arith.constant 0 : i32
    %c0_i32_1 = arith.constant 0 : i32
    return %arg0, %c0_i32, %c0_i32_0 : i32, i32, i32
  }
  func.func @transform_2(%arg0: i32, %arg1: i32) -> (i32, i32, i32) {
    %c0_i32 = arith.constant 0 : i32
    %c0_i32_0 = arith.constant 0 : i32
    return %arg0, %arg1, %c0_i32 : i32, i32, i32
  }
  func.func @transform_3(%arg0: i32, %arg1: i32) -> (i32, i32, i32) {
    %c0_i32 = arith.constant 0 : i32
    %c0_i32_0 = arith.constant 0 : i32
    return %arg0, %arg1, %c0_i32 : i32, i32, i32
  }
}

module attributes {stable_mosaic.version = 14 : i64} {
  func.func @_edge_body(%arg0: i32, %arg1: i32, %arg2: memref<1x16x3840xf32, #tpu.memory_space<vmem>>, %arg3: memref<128x40xf32, #tpu.memory_space<vmem>>, %arg4: memref<128x8xf32, #tpu.memory_space<vmem>>, %arg5: memref<1x128x3840xf32, #tpu.memory_space<vmem>>) attributes {dimension_semantics = [#tpu.dimension_semantics<arbitrary>, #tpu.dimension_semantics<arbitrary>], iteration_bounds = array<i64: 2, 16>, scalar_prefetch = 0 : i64, scratch_operands = 0 : i64, tpu.core_type = #tpu.core_type<tc>, window_params = [{transform_indices = @transform_0, window_bounds = array<i64: 1, 16, 3840>}, {pipeline_mode = #tpu.pipeline_mode<synchronous>, transform_indices = @transform_1, window_bounds = array<i64: 128, 40>}, {pipeline_mode = #tpu.pipeline_mode<synchronous>, transform_indices = @transform_2, window_bounds = array<i64: 128, 8>}, {transform_indices = @transform_3, window_bounds = array<i64: 1, 128, 3840>}]} {
    %get3A = arith.constant 0 : index
    %get3A_0 = arith.constant 0 : index
    %get3A_1 = arith.constant 0 : index
    %get3A_2 = vector.load %arg2[%get3A, %get3A_0, %get3A_1] : memref<1x16x3840xf32, #tpu.memory_space<vmem>>, vector<1x16x3840xf32>
    %get3A_3 = vector.shape_cast %get3A_2 : vector<1x16x3840xf32> to vector<16x3840xf32>
    %slice3A = vector.extract_strided_slice %get3A_3 {offsets = [0, 0], sizes = [7, 3840], strides = [1, 1]} : vector<16x3840xf32> to vector<7x3840xf32>
    %slice3A_4 = vector.extract_strided_slice %get3A_3 {offsets = [7, 0], sizes = [1, 3840], strides = [1, 1]} : vector<16x3840xf32> to vector<1x3840xf32>
    %slice3A_5 = vector.extract_strided_slice %get3A_3 {offsets = [8, 0], sizes = [1, 3840], strides = [1, 1]} : vector<16x3840xf32> to vector<1x3840xf32>
    %slice3A_6 = vector.extract_strided_slice %get3A_3 {offsets = [9, 0], sizes = [1, 3840], strides = [1, 1]} : vector<16x3840xf32> to vector<1x3840xf32>
    %sub3A = arith.subf %slice3A_5, %slice3A_6 : vector<1x3840xf32>
    %iota3A = tpu.iota {dimensions = array<i32: 0>} : vector<8x1xi32>
    %convert_element_type3A = arith.sitofp %iota3A : vector<8x1xi32> to vector<8x1xf32>
    %mul3A = arith.constant -1.15129256 : f32
    %mul3A_7 = vector.broadcast %mul3A : f32 to vector<8x1xf32>
    %mul3A_8 = arith.mulf %convert_element_type3A, %mul3A_7 : vector<8x1xf32>
    %exp3A = math.exp %mul3A_8 : vector<8x1xf32>
    %mul3A_9 = vector.broadcast %sub3A : vector<1x3840xf32> to vector<8x3840xf32>
    %mul3A_10 = vector.broadcast %exp3A : vector<8x1xf32> to vector<8x3840xf32>
    %mul3A_11 = arith.mulf %mul3A_9, %mul3A_10 : vector<8x3840xf32>
    %cos3A = math.cos %mul3A_11 : vector<8x3840xf32>
    %sin3A = math.sin %mul3A_11 : vector<8x3840xf32>
    %iota3A_12 = tpu.iota {dimensions = array<i32: 0>} : vector<16x1xi32>
    %convert_element_type3A_13 = arith.sitofp %iota3A_12 : vector<16x1xi32> to vector<16x1xf32>
    %mul3A_14 = arith.constant 1.33333337 : f32
    %mul3A_15 = vector.broadcast %mul3A_14 : f32 to vector<16x1xf32>
    %mul3A_16 = arith.mulf %convert_element_type3A_13, %mul3A_15 : vector<16x1xf32>
    %sub3A_17 = vector.broadcast %slice3A_4 : vector<1x3840xf32> to vector<16x3840xf32>
    %sub3A_18 = vector.broadcast %mul3A_16 : vector<16x1xf32> to vector<16x3840xf32>
    %sub3A_19 = arith.subf %sub3A_17, %sub3A_18 : vector<16x3840xf32>
    %div3A = arith.constant 1.250000e+00 : f32
    %div3A_20 = vector.broadcast %div3A : f32 to vector<16x3840xf32>
    %div3A_21 = arith.divf %sub3A_19, %div3A_20 : vector<16x3840xf32>
    %integer_pow3A = arith.mulf %div3A_21, %div3A_21 : vector<16x3840xf32>
    %neg3A = arith.constant 0.000000e+00 : f32
    %neg3A_22 = vector.broadcast %neg3A : f32 to vector<16x3840xf32>
    %neg3A_23 = arith.subf %neg3A_22, %integer_pow3A : vector<16x3840xf32>
    %exp3A_24 = math.exp %neg3A_23 : vector<16x3840xf32>
    %broadcast_in_dim3A = arith.constant 0.000000e+00 : f32
    %broadcast_in_dim3A_25 = vector.broadcast %broadcast_in_dim3A : f32 to vector<1x3840xf32>
    %concatenate3A = tpu.concatenate %cos3A, %sin3A, %exp3A_24, %slice3A, %broadcast_in_dim3A_25 in 0 : vector<8x3840xf32>, vector<8x3840xf32>, vector<16x3840xf32>, vector<7x3840xf32>, vector<1x3840xf32> -> vector<40x3840xf32>
    %get3A_26 = arith.constant 0 : index
    %get3A_27 = arith.constant 0 : index
    %get3A_28 = vector.load %arg3[%get3A_26, %get3A_27] : memref<128x40xf32, #tpu.memory_space<vmem>>, vector<128x40xf32>
    %dot_general3A = arith.constant dense<0.000000e+00> : vector<128x3840xf32>
    %dot_general3A_29 = tpu.matmul %get3A_28, %concatenate3A, %dot_general3A {dimension_numbers = #tpu.dot_dimension_numbers<[1], [0], [0], [1], [0, 0, 1, 1], [], []>, transpose_lhs_hint = false} : vector<128x40xf32>, vector<40x3840xf32>, vector<128x3840xf32> -> vector<128x3840xf32>
    %get3A_30 = arith.constant 0 : index
    %get3A_31 = arith.constant 0 : index
    %get3A_32 = vector.load %arg4[%get3A_30, %get3A_31] : memref<128x8xf32, #tpu.memory_space<vmem>>, vector<128x1xf32>
    %get3A_33 = arith.constant 0 : index
    %get3A_34 = arith.constant 1 : index
    %get3A_35 = vector.load %arg4[%get3A_33, %get3A_34] : memref<128x8xf32, #tpu.memory_space<vmem>>, vector<128x1xf32>
    %get3A_36 = arith.constant 0 : index
    %get3A_37 = arith.constant 2 : index
    %get3A_38 = vector.load %arg4[%get3A_36, %get3A_37] : memref<128x8xf32, #tpu.memory_space<vmem>>, vector<128x1xf32>
    %add3A = vector.broadcast %get3A_32 : vector<128x1xf32> to vector<128x3840xf32>
    %add3A_39 = arith.addf %dot_general3A_29, %add3A : vector<128x3840xf32>
    %reduce_sum3A = arith.constant dense<0.000000e+00> : vector<3840xf32>
    %reduce_sum3A_40 = vector.multi_reduction <add>, %add3A_39, %reduce_sum3A [0] : vector<128x3840xf32> to vector<3840xf32>
    %broadcast_in_dim3A_41 = vector.shape_cast %reduce_sum3A_40 : vector<3840xf32> to vector<1x3840xf32>
    %div3A_42 = arith.constant 1.280000e+02 : f32
    %div3A_43 = vector.broadcast %div3A_42 : f32 to vector<1x3840xf32>
    %div3A_44 = arith.divf %broadcast_in_dim3A_41, %div3A_43 : vector<1x3840xf32>
    %sub3A_45 = vector.broadcast %div3A_44 : vector<1x3840xf32> to vector<128x3840xf32>
    %sub3A_46 = arith.subf %add3A_39, %sub3A_45 : vector<128x3840xf32>
    %integer_pow3A_47 = arith.mulf %sub3A_46, %sub3A_46 : vector<128x3840xf32>
    %reduce_sum3A_48 = arith.constant dense<0.000000e+00> : vector<3840xf32>
    %reduce_sum3A_49 = vector.multi_reduction <add>, %integer_pow3A_47, %reduce_sum3A_48 [0] : vector<128x3840xf32> to vector<3840xf32>
    %broadcast_in_dim3A_50 = vector.shape_cast %reduce_sum3A_49 : vector<3840xf32> to vector<1x3840xf32>
    %div3A_51 = arith.constant 1.280000e+02 : f32
    %div3A_52 = vector.broadcast %div3A_51 : f32 to vector<1x3840xf32>
    %div3A_53 = arith.divf %broadcast_in_dim3A_50, %div3A_52 : vector<1x3840xf32>
    %sub3A_54 = vector.broadcast %div3A_44 : vector<1x3840xf32> to vector<128x3840xf32>
    %sub3A_55 = arith.subf %add3A_39, %sub3A_54 : vector<128x3840xf32>
    %add3A_56 = arith.constant 9.99999974E-6 : f32
    %add3A_57 = vector.broadcast %add3A_56 : f32 to vector<1x3840xf32>
    %add3A_58 = arith.addf %div3A_53, %add3A_57 : vector<1x3840xf32>
    %sqrt3A = math.sqrt %add3A_58 : vector<1x3840xf32>
    %div3A_59 = vector.broadcast %sqrt3A : vector<1x3840xf32> to vector<128x3840xf32>
    %div3A_60 = arith.divf %sub3A_55, %div3A_59 : vector<128x3840xf32>
    %mul3A_61 = vector.broadcast %get3A_35 : vector<128x1xf32> to vector<128x3840xf32>
    %mul3A_62 = arith.mulf %div3A_60, %mul3A_61 : vector<128x3840xf32>
    %add3A_63 = vector.broadcast %get3A_38 : vector<128x1xf32> to vector<128x3840xf32>
    %add3A_64 = arith.addf %mul3A_62, %add3A_63 : vector<128x3840xf32>
    %swap3A = arith.constant 0 : index
    %swap3A_65 = arith.constant 0 : index
    %swap3A_66 = arith.constant 0 : index
    %swap3A_67 = vector.load %arg5[%swap3A, %swap3A_65, %swap3A_66] : memref<1x128x3840xf32, #tpu.memory_space<vmem>>, vector<1x128x3840xf32>
    %swap3A_68 = vector.shape_cast %swap3A_67 : vector<1x128x3840xf32> to vector<128x3840xf32>
    %swap3A_69 = vector.shape_cast %add3A_64 : vector<128x3840xf32> to vector<1x128x3840xf32>
    tpu.vector_store %arg5[%swap3A, %swap3A_65, %swap3A_66], %swap3A_69 {strides = array<i32>} : memref<1x128x3840xf32, #tpu.memory_space<vmem>>, vector<1x128x3840xf32>,
    return
  }
  func.func @transform_0(%arg0: i32, %arg1: i32) -> (i32, i32, i32) {
    %c0_i32 = arith.constant 0 : i32
    %c0_i32_0 = arith.constant 0 : i32
    return %arg0, %c0_i32, %arg1 : i32, i32, i32
  }
  func.func @transform_1(%arg0: i32, %arg1: i32) -> (i32, i32) {
    %c0_i32 = arith.constant 0 : i32
    %c0_i32_0 = arith.constant 0 : i32
    %c0_i32_1 = arith.constant 0 : i32
    return %c0_i32, %c0_i32_0 : i32, i32
  }
  func.func @transform_2(%arg0: i32, %arg1: i32) -> (i32, i32) {
    %c0_i32 = arith.constant 0 : i32
    %c0_i32_0 = arith.constant 0 : i32
    %c0_i32_1 = arith.constant 0 : i32
    return %c0_i32, %c0_i32_0 : i32, i32
  }
  func.func @transform_3(%arg0: i32, %arg1: i32) -> (i32, i32, i32) {
    %c0_i32 = arith.constant 0 : i32
    %c0_i32_0 = arith.constant 0 : i32
    return %arg0, %c0_i32, %arg1 : i32, i32, i32
  }
}

module attributes {stable_mosaic.version = 14 : i64} {
  func.func @_node_body(%arg0: i32, %arg1: memref<1x4x3x3x2048xf32, #tpu.memory_space<vmem>>, %arg2: memref<128x8xf32, #tpu.memory_space<vmem>>, %arg3: memref<128x8xf32, #tpu.memory_space<vmem>>, %arg4: memref<1x128x2048xf32, #tpu.memory_space<vmem>>) attributes {dimension_semantics = [#tpu.dimension_semantics<arbitrary>], iteration_bounds = array<i64: 2>, scalar_prefetch = 0 : i64, scratch_operands = 0 : i64, tpu.core_type = #tpu.core_type<tc>, window_params = [{transform_indices = @transform_0, window_bounds = array<i64: 1, 4, 3, 3, 2048>}, {pipeline_mode = #tpu.pipeline_mode<synchronous>, transform_indices = @transform_1, window_bounds = array<i64: 128, 8>}, {pipeline_mode = #tpu.pipeline_mode<synchronous>, transform_indices = @transform_2, window_bounds = array<i64: 128, 8>}, {transform_indices = @transform_3, window_bounds = array<i64: 1, 128, 2048>}]} {
    %get3A = arith.constant 0 : index
    %get3A_0 = arith.constant 0 : index
    %get3A_1 = arith.constant 0 : index
    %get3A_2 = arith.constant 0 : index
    %get3A_3 = arith.constant 0 : index
    %get3A_4 = vector.load %arg1[%get3A, %get3A_0, %get3A_1, %get3A_2, %get3A_3] : memref<1x4x3x3x2048xf32, #tpu.memory_space<vmem>>, vector<1x1x1x3x2048xf32>
    %get3A_5 = vector.shape_cast %get3A_4 : vector<1x1x1x3x2048xf32> to vector<3x2048xf32>
    %get3A_6 = arith.constant 0 : index
    %get3A_7 = arith.constant 0 : index
    %get3A_8 = arith.constant 1 : index
    %get3A_9 = arith.constant 0 : index
    %get3A_10 = arith.constant 0 : index
    %get3A_11 = vector.load %arg1[%get3A_6, %get3A_7, %get3A_8, %get3A_9, %get3A_10] : memref<1x4x3x3x2048xf32, #tpu.memory_space<vmem>>, vector<1x1x1x3x2048xf32>
    %get3A_12 = vector.shape_cast %get3A_11 : vector<1x1x1x3x2048xf32> to vector<3x2048xf32>
    %get3A_13 = arith.constant 0 : index
    %get3A_14 = arith.constant 0 : index
    %get3A_15 = arith.constant 2 : index
    %get3A_16 = arith.constant 0 : index
    %get3A_17 = arith.constant 0 : index
    %get3A_18 = vector.load %arg1[%get3A_13, %get3A_14, %get3A_15, %get3A_16, %get3A_17] : memref<1x4x3x3x2048xf32, #tpu.memory_space<vmem>>, vector<1x1x1x3x2048xf32>
    %get3A_19 = vector.shape_cast %get3A_18 : vector<1x1x1x3x2048xf32> to vector<3x2048xf32>
    %get3A_20 = arith.constant 0 : index
    %get3A_21 = arith.constant 1 : index
    %get3A_22 = arith.constant 0 : index
    %get3A_23 = arith.constant 0 : index
    %get3A_24 = arith.constant 0 : index
    %get3A_25 = vector.load %arg1[%get3A_20, %get3A_21, %get3A_22, %get3A_23, %get3A_24] : memref<1x4x3x3x2048xf32, #tpu.memory_space<vmem>>, vector<1x1x1x3x2048xf32>
    %get3A_26 = vector.shape_cast %get3A_25 : vector<1x1x1x3x2048xf32> to vector<3x2048xf32>
    %get3A_27 = arith.constant 0 : index
    %get3A_28 = arith.constant 1 : index
    %get3A_29 = arith.constant 1 : index
    %get3A_30 = arith.constant 0 : index
    %get3A_31 = arith.constant 0 : index
    %get3A_32 = vector.load %arg1[%get3A_27, %get3A_28, %get3A_29, %get3A_30, %get3A_31] : memref<1x4x3x3x2048xf32, #tpu.memory_space<vmem>>, vector<1x1x1x3x2048xf32>
    %get3A_33 = vector.shape_cast %get3A_32 : vector<1x1x1x3x2048xf32> to vector<3x2048xf32>
    %get3A_34 = arith.constant 0 : index
    %get3A_35 = arith.constant 1 : index
    %get3A_36 = arith.constant 2 : index
    %get3A_37 = arith.constant 0 : index
    %get3A_38 = arith.constant 0 : index
    %get3A_39 = vector.load %arg1[%get3A_34, %get3A_35, %get3A_36, %get3A_37, %get3A_38] : memref<1x4x3x3x2048xf32, #tpu.memory_space<vmem>>, vector<1x1x1x3x2048xf32>
    %get3A_40 = vector.shape_cast %get3A_39 : vector<1x1x1x3x2048xf32> to vector<3x2048xf32>
    %get3A_41 = arith.constant 0 : index
    %get3A_42 = arith.constant 2 : index
    %get3A_43 = arith.constant 0 : index
    %get3A_44 = arith.constant 0 : index
    %get3A_45 = arith.constant 0 : index
    %get3A_46 = vector.load %arg1[%get3A_41, %get3A_42, %get3A_43, %get3A_44, %get3A_45] : memref<1x4x3x3x2048xf32, #tpu.memory_space<vmem>>, vector<1x1x1x3x2048xf32>
    %get3A_47 = vector.shape_cast %get3A_46 : vector<1x1x1x3x2048xf32> to vector<3x2048xf32>
    %get3A_48 = arith.constant 0 : index
    %get3A_49 = arith.constant 2 : index
    %get3A_50 = arith.constant 1 : index
    %get3A_51 = arith.constant 0 : index
    %get3A_52 = arith.constant 0 : index
    %get3A_53 = vector.load %arg1[%get3A_48, %get3A_49, %get3A_50, %get3A_51, %get3A_52] : memref<1x4x3x3x2048xf32, #tpu.memory_space<vmem>>, vector<1x1x1x3x2048xf32>
    %get3A_54 = vector.shape_cast %get3A_53 : vector<1x1x1x3x2048xf32> to vector<3x2048xf32>
    %get3A_55 = arith.constant 0 : index
    %get3A_56 = arith.constant 2 : index
    %get3A_57 = arith.constant 2 : index
    %get3A_58 = arith.constant 0 : index
    %get3A_59 = arith.constant 0 : index
    %get3A_60 = vector.load %arg1[%get3A_55, %get3A_56, %get3A_57, %get3A_58, %get3A_59] : memref<1x4x3x3x2048xf32, #tpu.memory_space<vmem>>, vector<1x1x1x3x2048xf32>
    %get3A_61 = vector.shape_cast %get3A_60 : vector<1x1x1x3x2048xf32> to vector<3x2048xf32>
    %get3A_62 = arith.constant 0 : index
    %get3A_63 = arith.constant 3 : index
    %get3A_64 = arith.constant 0 : index
    %get3A_65 = arith.constant 0 : index
    %get3A_66 = arith.constant 0 : index
    %get3A_67 = vector.load %arg1[%get3A_62, %get3A_63, %get3A_64, %get3A_65, %get3A_66] : memref<1x4x3x3x2048xf32, #tpu.memory_space<vmem>>, vector<1x1x1x3x2048xf32>
    %get3A_68 = vector.shape_cast %get3A_67 : vector<1x1x1x3x2048xf32> to vector<3x2048xf32>
    %get3A_69 = arith.constant 0 : index
    %get3A_70 = arith.constant 3 : index
    %get3A_71 = arith.constant 1 : index
    %get3A_72 = arith.constant 0 : index
    %get3A_73 = arith.constant 0 : index
    %get3A_74 = vector.load %arg1[%get3A_69, %get3A_70, %get3A_71, %get3A_72, %get3A_73] : memref<1x4x3x3x2048xf32, #tpu.memory_space<vmem>>, vector<1x1x1x3x2048xf32>
    %get3A_75 = vector.shape_cast %get3A_74 : vector<1x1x1x3x2048xf32> to vector<3x2048xf32>
    %get3A_76 = arith.constant 0 : index
    %get3A_77 = arith.constant 3 : index
    %get3A_78 = arith.constant 2 : index
    %get3A_79 = arith.constant 0 : index
    %get3A_80 = arith.constant 0 : index
    %get3A_81 = vector.load %arg1[%get3A_76, %get3A_77, %get3A_78, %get3A_79, %get3A_80] : memref<1x4x3x3x2048xf32, #tpu.memory_space<vmem>>, vector<1x1x1x3x2048xf32>
    %get3A_82 = vector.shape_cast %get3A_81 : vector<1x1x1x3x2048xf32> to vector<3x2048xf32>
    %sub3A = arith.subf %get3A_26, %get3A_5 : vector<3x2048xf32>
    %sub3A_83 = arith.subf %get3A_33, %get3A_12 : vector<3x2048xf32>
    %sub3A_84 = arith.subf %get3A_40, %get3A_19 : vector<3x2048xf32>
    %sub3A_85 = arith.subf %get3A_47, %get3A_26 : vector<3x2048xf32>
    %sub3A_86 = arith.subf %get3A_54, %get3A_33 : vector<3x2048xf32>
    %sub3A_87 = arith.subf %get3A_61, %get3A_40 : vector<3x2048xf32>
    %sub3A_88 = arith.subf %get3A_68, %get3A_47 : vector<3x2048xf32>
    %sub3A_89 = arith.subf %get3A_75, %get3A_54 : vector<3x2048xf32>
    %sub3A_90 = arith.subf %get3A_82, %get3A_61 : vector<3x2048xf32>
    %mul3A = arith.mulf %sub3A, %sub3A : vector<3x2048xf32>
    %mul3A_91 = arith.mulf %sub3A_83, %sub3A_83 : vector<3x2048xf32>
    %add3A = arith.addf %mul3A, %mul3A_91 : vector<3x2048xf32>
    %mul3A_92 = arith.mulf %sub3A_84, %sub3A_84 : vector<3x2048xf32>
    %add3A_93 = arith.addf %add3A, %mul3A_92 : vector<3x2048xf32>
    %sqrt3A = math.sqrt %add3A_93 : vector<3x2048xf32>
    %max3A = arith.constant 9.99999996E-13 : f32
    %max3A_94 = vector.broadcast %max3A : f32 to vector<3x2048xf32>
    %max3A_95 = arith.maximumf %sqrt3A, %max3A_94 : vector<3x2048xf32>
    %div3A = arith.constant 1.000000e+00 : f32
    %div3A_96 = vector.broadcast %div3A : f32 to vector<3x2048xf32>
    %div3A_97 = arith.divf %div3A_96, %max3A_95 : vector<3x2048xf32>
    %mul3A_98 = arith.mulf %sub3A, %div3A_97 : vector<3x2048xf32>
    %mul3A_99 = arith.mulf %sub3A_83, %div3A_97 : vector<3x2048xf32>
    %mul3A_100 = arith.mulf %sub3A_84, %div3A_97 : vector<3x2048xf32>
    %mul3A_101 = arith.mulf %sub3A_85, %sub3A_85 : vector<3x2048xf32>
    %mul3A_102 = arith.mulf %sub3A_86, %sub3A_86 : vector<3x2048xf32>
    %add3A_103 = arith.addf %mul3A_101, %mul3A_102 : vector<3x2048xf32>
    %mul3A_104 = arith.mulf %sub3A_87, %sub3A_87 : vector<3x2048xf32>
    %add3A_105 = arith.addf %add3A_103, %mul3A_104 : vector<3x2048xf32>
    %sqrt3A_106 = math.sqrt %add3A_105 : vector<3x2048xf32>
    %max3A_107 = arith.constant 9.99999996E-13 : f32
    %max3A_108 = vector.broadcast %max3A_107 : f32 to vector<3x2048xf32>
    %max3A_109 = arith.maximumf %sqrt3A_106, %max3A_108 : vector<3x2048xf32>
    %div3A_110 = arith.constant 1.000000e+00 : f32
    %div3A_111 = vector.broadcast %div3A_110 : f32 to vector<3x2048xf32>
    %div3A_112 = arith.divf %div3A_111, %max3A_109 : vector<3x2048xf32>
    %mul3A_113 = arith.mulf %sub3A_85, %div3A_112 : vector<3x2048xf32>
    %mul3A_114 = arith.mulf %sub3A_86, %div3A_112 : vector<3x2048xf32>
    %mul3A_115 = arith.mulf %sub3A_87, %div3A_112 : vector<3x2048xf32>
    %mul3A_116 = arith.mulf %sub3A_88, %sub3A_88 : vector<3x2048xf32>
    %mul3A_117 = arith.mulf %sub3A_89, %sub3A_89 : vector<3x2048xf32>
    %add3A_118 = arith.addf %mul3A_116, %mul3A_117 : vector<3x2048xf32>
    %mul3A_119 = arith.mulf %sub3A_90, %sub3A_90 : vector<3x2048xf32>
    %add3A_120 = arith.addf %add3A_118, %mul3A_119 : vector<3x2048xf32>
    %sqrt3A_121 = math.sqrt %add3A_120 : vector<3x2048xf32>
    %max3A_122 = arith.constant 9.99999996E-13 : f32
    %max3A_123 = vector.broadcast %max3A_122 : f32 to vector<3x2048xf32>
    %max3A_124 = arith.maximumf %sqrt3A_121, %max3A_123 : vector<3x2048xf32>
    %div3A_125 = arith.constant 1.000000e+00 : f32
    %div3A_126 = vector.broadcast %div3A_125 : f32 to vector<3x2048xf32>
    %div3A_127 = arith.divf %div3A_126, %max3A_124 : vector<3x2048xf32>
    %mul3A_128 = arith.mulf %sub3A_88, %div3A_127 : vector<3x2048xf32>
    %mul3A_129 = arith.mulf %sub3A_89, %div3A_127 : vector<3x2048xf32>
    %mul3A_130 = arith.mulf %sub3A_90, %div3A_127 : vector<3x2048xf32>
    %mul3A_131 = arith.mulf %mul3A_99, %mul3A_115 : vector<3x2048xf32>
    %mul3A_132 = arith.mulf %mul3A_100, %mul3A_114 : vector<3x2048xf32>
    %sub3A_133 = arith.subf %mul3A_131, %mul3A_132 : vector<3x2048xf32>
    %mul3A_134 = arith.mulf %mul3A_100, %mul3A_113 : vector<3x2048xf32>
    %mul3A_135 = arith.mulf %mul3A_98, %mul3A_115 : vector<3x2048xf32>
    %sub3A_136 = arith.subf %mul3A_134, %mul3A_135 : vector<3x2048xf32>
    %mul3A_137 = arith.mulf %mul3A_98, %mul3A_114 : vector<3x2048xf32>
    %mul3A_138 = arith.mulf %mul3A_99, %mul3A_113 : vector<3x2048xf32>
    %sub3A_139 = arith.subf %mul3A_137, %mul3A_138 : vector<3x2048xf32>
    %mul3A_140 = arith.mulf %sub3A_133, %sub3A_133 : vector<3x2048xf32>
    %mul3A_141 = arith.mulf %sub3A_136, %sub3A_136 : vector<3x2048xf32>
    %add3A_142 = arith.addf %mul3A_140, %mul3A_141 : vector<3x2048xf32>
    %mul3A_143 = arith.mulf %sub3A_139, %sub3A_139 : vector<3x2048xf32>
    %add3A_144 = arith.addf %add3A_142, %mul3A_143 : vector<3x2048xf32>
    %sqrt3A_145 = math.sqrt %add3A_144 : vector<3x2048xf32>
    %max3A_146 = arith.constant 9.99999996E-13 : f32
    %max3A_147 = vector.broadcast %max3A_146 : f32 to vector<3x2048xf32>
    %max3A_148 = arith.maximumf %sqrt3A_145, %max3A_147 : vector<3x2048xf32>
    %div3A_149 = arith.constant 1.000000e+00 : f32
    %div3A_150 = vector.broadcast %div3A_149 : f32 to vector<3x2048xf32>
    %div3A_151 = arith.divf %div3A_150, %max3A_148 : vector<3x2048xf32>
    %mul3A_152 = arith.mulf %sub3A_133, %div3A_151 : vector<3x2048xf32>
    %mul3A_153 = arith.mulf %sub3A_136, %div3A_151 : vector<3x2048xf32>
    %mul3A_154 = arith.mulf %sub3A_139, %div3A_151 : vector<3x2048xf32>
    %mul3A_155 = arith.mulf %mul3A_114, %mul3A_130 : vector<3x2048xf32>
    %mul3A_156 = arith.mulf %mul3A_115, %mul3A_129 : vector<3x2048xf32>
    %sub3A_157 = arith.subf %mul3A_155, %mul3A_156 : vector<3x2048xf32>
    %mul3A_158 = arith.mulf %mul3A_115, %mul3A_128 : vector<3x2048xf32>
    %mul3A_159 = arith.mulf %mul3A_113, %mul3A_130 : vector<3x2048xf32>
    %sub3A_160 = arith.subf %mul3A_158, %mul3A_159 : vector<3x2048xf32>
    %mul3A_161 = arith.mulf %mul3A_113, %mul3A_129 : vector<3x2048xf32>
    %mul3A_162 = arith.mulf %mul3A_114, %mul3A_128 : vector<3x2048xf32>
    %sub3A_163 = arith.subf %mul3A_161, %mul3A_162 : vector<3x2048xf32>
    %mul3A_164 = arith.mulf %sub3A_157, %sub3A_157 : vector<3x2048xf32>
    %mul3A_165 = arith.mulf %sub3A_160, %sub3A_160 : vector<3x2048xf32>
    %add3A_166 = arith.addf %mul3A_164, %mul3A_165 : vector<3x2048xf32>
    %mul3A_167 = arith.mulf %sub3A_163, %sub3A_163 : vector<3x2048xf32>
    %add3A_168 = arith.addf %add3A_166, %mul3A_167 : vector<3x2048xf32>
    %sqrt3A_169 = math.sqrt %add3A_168 : vector<3x2048xf32>
    %max3A_170 = arith.constant 9.99999996E-13 : f32
    %max3A_171 = vector.broadcast %max3A_170 : f32 to vector<3x2048xf32>
    %max3A_172 = arith.maximumf %sqrt3A_169, %max3A_171 : vector<3x2048xf32>
    %div3A_173 = arith.constant 1.000000e+00 : f32
    %div3A_174 = vector.broadcast %div3A_173 : f32 to vector<3x2048xf32>
    %div3A_175 = arith.divf %div3A_174, %max3A_172 : vector<3x2048xf32>
    %mul3A_176 = arith.mulf %sub3A_157, %div3A_175 : vector<3x2048xf32>
    %mul3A_177 = arith.mulf %sub3A_160, %div3A_175 : vector<3x2048xf32>
    %mul3A_178 = arith.mulf %sub3A_163, %div3A_175 : vector<3x2048xf32>
    %mul3A_179 = arith.mulf %mul3A_152, %mul3A_176 : vector<3x2048xf32>
    %mul3A_180 = arith.mulf %mul3A_153, %mul3A_177 : vector<3x2048xf32>
    %add3A_181 = arith.addf %mul3A_179, %mul3A_180 : vector<3x2048xf32>
    %mul3A_182 = arith.mulf %mul3A_154, %mul3A_178 : vector<3x2048xf32>
    %add3A_183 = arith.addf %add3A_181, %mul3A_182 : vector<3x2048xf32>
    %jit3A = arith.constant -0.99999988 : f32
    %jit3A_184 = arith.constant 0.99999988 : f32
    %max3A_185 = vector.broadcast %jit3A : f32 to vector<3x2048xf32>
    %max3A_186 = arith.maximumf %max3A_185, %add3A_183 : vector<3x2048xf32>
    %min3A = vector.broadcast %jit3A_184 : f32 to vector<3x2048xf32>
    %min3A_187 = arith.minimumf %min3A, %max3A_186 : vector<3x2048xf32>
    %mul3A_188 = arith.mulf %mul3A_98, %mul3A_176 : vector<3x2048xf32>
    %mul3A_189 = arith.mulf %mul3A_99, %mul3A_177 : vector<3x2048xf32>
    %add3A_190 = arith.addf %mul3A_188, %mul3A_189 : vector<3x2048xf32>
    %mul3A_191 = arith.mulf %mul3A_100, %mul3A_178 : vector<3x2048xf32>
    %add3A_192 = arith.addf %add3A_190, %mul3A_191 : vector<3x2048xf32>
    %sign3A = tpu.bitcast %add3A_192 : vector<3x2048xf32> -> vector<3x2048xi32>
    %sign3A_193 = arith.constant -2147483648 : i32
    %sign3A_194 = vector.broadcast %sign3A_193 : i32 to vector<3x2048xi32>
    %sign3A_195 = arith.andi %sign3A, %sign3A_194 : vector<3x2048xi32>
    %sign3A_196 = arith.constant 1065353216 : i32
    %sign3A_197 = vector.broadcast %sign3A_196 : i32 to vector<3x2048xi32>
    %sign3A_198 = arith.ori %sign3A_197, %sign3A_195 : vector<3x2048xi32>
    %sign3A_199 = tpu.bitcast %sign3A_198 : vector<3x2048xi32> -> vector<3x2048xf32>
    %sign3A_200 = math.absf %add3A_192 : vector<3x2048xf32>
    %sign3A_201 = arith.constant 0.000000e+00 : f32
    %sign3A_202 = vector.broadcast %sign3A_201 : f32 to vector<3x2048xf32>
    %sign3A_203 = arith.cmpf ogt, %sign3A_200, %sign3A_202 : vector<3x2048xf32>
    %sign3A_204 = arith.select %sign3A_203, %sign3A_199, %add3A_192 : vector<3x2048xi1>, vector<3x2048xf32>
    %iota3A = tpu.iota {dimensions = array<i32: 1>} : vector<3x2048xi32>
    %iota3A_205 = tpu.iota {dimensions = array<i32: 0>} : vector<3x2048xi32>
    %eq3A = arith.constant 0 : i32
    %eq3A_206 = vector.broadcast %eq3A : i32 to vector<3x2048xi32>
    %eq3A_207 = arith.cmpi eq, %iota3A, %eq3A_206 : vector<3x2048xi32>
    %eq3A_208 = arith.constant 0 : i32
    %eq3A_209 = vector.broadcast %eq3A_208 : i32 to vector<3x2048xi32>
    %eq3A_210 = arith.cmpi eq, %iota3A_205, %eq3A_209 : vector<3x2048xi32>
    %and3A = arith.andi %eq3A_207, %eq3A_210 : vector<3x2048xi1>
    %eq3A_211 = arith.constant 2047 : i32
    %eq3A_212 = vector.broadcast %eq3A_211 : i32 to vector<3x2048xi32>
    %eq3A_213 = arith.cmpi eq, %iota3A, %eq3A_212 : vector<3x2048xi32>
    %ge3A = arith.constant 1 : i32
    %ge3A_214 = vector.broadcast %ge3A : i32 to vector<3x2048xi32>
    %ge3A_215 = arith.cmpi sge, %iota3A_205, %ge3A_214 : vector<3x2048xi32>
    %and3A_216 = arith.andi %eq3A_213, %ge3A_215 : vector<3x2048xi1>
    %or3A = arith.ori %and3A, %and3A_216 : vector<3x2048xi1>
    %jit3A_217 = arith.constant 1.000000e+00 : f32
    %broadcast_in_dim3A = vector.broadcast %jit3A_217 : f32 to vector<3x2048xf32>
    %select_n3A = arith.select %or3A, %broadcast_in_dim3A, %min3A_187 : vector<3x2048xi1>, vector<3x2048xf32>
    %mul3A_218 = arith.mulf %min3A_187, %min3A_187 : vector<3x2048xf32>
    %sub3A_219 = arith.constant 1.000000e+00 : f32
    %sub3A_220 = vector.broadcast %sub3A_219 : f32 to vector<3x2048xf32>
    %sub3A_221 = arith.subf %sub3A_220, %mul3A_218 : vector<3x2048xf32>
    %sqrt3A_222 = math.sqrt %sub3A_221 : vector<3x2048xf32>
    %mul3A_223 = arith.mulf %sign3A_204, %sqrt3A_222 : vector<3x2048xf32>
    %jit3A_224 = arith.constant 0.000000e+00 : f32
    %broadcast_in_dim3A_225 = vector.broadcast %jit3A_224 : f32 to vector<3x2048xf32>
    %select_n3A_226 = arith.select %or3A, %broadcast_in_dim3A_225, %mul3A_223 : vector<3x2048xi1>, vector<3x2048xf32>
    %broadcast_in_dim3A_227 = arith.constant 0.000000e+00 : f32
    %broadcast_in_dim3A_228 = vector.broadcast %broadcast_in_dim3A_227 : f32 to vector<2x2048xf32>
    %concatenate3A = tpu.concatenate %select_n3A, %select_n3A_226, %broadcast_in_dim3A_228 in 0 : vector<3x2048xf32>, vector<3x2048xf32>, vector<2x2048xf32> -> vector<8x2048xf32>
    %get3A_229 = arith.constant 0 : index
    %get3A_230 = arith.constant 0 : index
    %get3A_231 = vector.load %arg2[%get3A_229, %get3A_230] : memref<128x8xf32, #tpu.memory_space<vmem>>, vector<128x8xf32>
    %dot_general3A = arith.constant dense<0.000000e+00> : vector<128x2048xf32>
    %dot_general3A_232 = tpu.matmul %get3A_231, %concatenate3A, %dot_general3A {dimension_numbers = #tpu.dot_dimension_numbers<[1], [0], [0], [1], [0, 0, 1, 1], [], []>, transpose_lhs_hint = false} : vector<128x8xf32>, vector<8x2048xf32>, vector<128x2048xf32> -> vector<128x2048xf32>
    %get3A_233 = arith.constant 0 : index
    %get3A_234 = arith.constant 0 : index
    %get3A_235 = vector.load %arg3[%get3A_233, %get3A_234] : memref<128x8xf32, #tpu.memory_space<vmem>>, vector<128x1xf32>
    %get3A_236 = arith.constant 0 : index
    %get3A_237 = arith.constant 1 : index
    %get3A_238 = vector.load %arg3[%get3A_236, %get3A_237] : memref<128x8xf32, #tpu.memory_space<vmem>>, vector<128x1xf32>
    %get3A_239 = arith.constant 0 : index
    %get3A_240 = arith.constant 2 : index
    %get3A_241 = vector.load %arg3[%get3A_239, %get3A_240] : memref<128x8xf32, #tpu.memory_space<vmem>>, vector<128x1xf32>
    %add3A_242 = vector.broadcast %get3A_235 : vector<128x1xf32> to vector<128x2048xf32>
    %add3A_243 = arith.addf %dot_general3A_232, %add3A_242 : vector<128x2048xf32>
    %reduce_sum3A = arith.constant dense<0.000000e+00> : vector<2048xf32>
    %reduce_sum3A_244 = vector.multi_reduction <add>, %add3A_243, %reduce_sum3A [0] : vector<128x2048xf32> to vector<2048xf32>
    %broadcast_in_dim3A_245 = vector.shape_cast %reduce_sum3A_244 : vector<2048xf32> to vector<1x2048xf32>
    %div3A_246 = arith.constant 1.280000e+02 : f32
    %div3A_247 = vector.broadcast %div3A_246 : f32 to vector<1x2048xf32>
    %div3A_248 = arith.divf %broadcast_in_dim3A_245, %div3A_247 : vector<1x2048xf32>
    %sub3A_249 = vector.broadcast %div3A_248 : vector<1x2048xf32> to vector<128x2048xf32>
    %sub3A_250 = arith.subf %add3A_243, %sub3A_249 : vector<128x2048xf32>
    %integer_pow3A = arith.mulf %sub3A_250, %sub3A_250 : vector<128x2048xf32>
    %reduce_sum3A_251 = arith.constant dense<0.000000e+00> : vector<2048xf32>
    %reduce_sum3A_252 = vector.multi_reduction <add>, %integer_pow3A, %reduce_sum3A_251 [0] : vector<128x2048xf32> to vector<2048xf32>
    %broadcast_in_dim3A_253 = vector.shape_cast %reduce_sum3A_252 : vector<2048xf32> to vector<1x2048xf32>
    %div3A_254 = arith.constant 1.280000e+02 : f32
    %div3A_255 = vector.broadcast %div3A_254 : f32 to vector<1x2048xf32>
    %div3A_256 = arith.divf %broadcast_in_dim3A_253, %div3A_255 : vector<1x2048xf32>
    %sub3A_257 = vector.broadcast %div3A_248 : vector<1x2048xf32> to vector<128x2048xf32>
    %sub3A_258 = arith.subf %add3A_243, %sub3A_257 : vector<128x2048xf32>
    %add3A_259 = arith.constant 9.99999974E-6 : f32
    %add3A_260 = vector.broadcast %add3A_259 : f32 to vector<1x2048xf32>
    %add3A_261 = arith.addf %div3A_256, %add3A_260 : vector<1x2048xf32>
    %sqrt3A_262 = math.sqrt %add3A_261 : vector<1x2048xf32>
    %div3A_263 = vector.broadcast %sqrt3A_262 : vector<1x2048xf32> to vector<128x2048xf32>
    %div3A_264 = arith.divf %sub3A_258, %div3A_263 : vector<128x2048xf32>
    %mul3A_265 = vector.broadcast %get3A_238 : vector<128x1xf32> to vector<128x2048xf32>
    %mul3A_266 = arith.mulf %div3A_264, %mul3A_265 : vector<128x2048xf32>
    %add3A_267 = vector.broadcast %get3A_241 : vector<128x1xf32> to vector<128x2048xf32>
    %add3A_268 = arith.addf %mul3A_266, %add3A_267 : vector<128x2048xf32>
    %swap3A = arith.constant 0 : index
    %swap3A_269 = arith.constant 0 : index
    %swap3A_270 = arith.constant 0 : index
    %swap3A_271 = vector.load %arg4[%swap3A, %swap3A_269, %swap3A_270] : memref<1x128x2048xf32, #tpu.memory_space<vmem>>, vector<1x128x2048xf32>
    %swap3A_272 = vector.shape_cast %swap3A_271 : vector<1x128x2048xf32> to vector<128x2048xf32>
    %swap3A_273 = vector.shape_cast %add3A_268 : vector<128x2048xf32> to vector<1x128x2048xf32>
    tpu.vector_store %arg4[%swap3A, %swap3A_269, %swap3A_270], %swap3A_273 {strides = array<i32>} : memref<1x128x2048xf32, #tpu.memory_space<vmem>>, vector<1x128x2048xf32>,
    return
  }
  func.func @transform_0(%arg0: i32) -> (i32, i32, i32, i32, i32) {
    %c0_i32 = arith.constant 0 : i32
    %c0_i32_0 = arith.constant 0 : i32
    %c0_i32_1 = arith.constant 0 : i32
    %c0_i32_2 = arith.constant 0 : i32
    %c0_i32_3 = arith.constant 0 : i32
    return %arg0, %c0_i32, %c0_i32_0, %c0_i32_1, %c0_i32_2 : i32, i32, i32, i32, i32
  }
  func.func @transform_1(%arg0: i32) -> (i32, i32) {
    %c0_i32 = arith.constant 0 : i32
    %c0_i32_0 = arith.constant 0 : i32
    %c0_i32_1 = arith.constant 0 : i32
    return %c0_i32, %c0_i32_0 : i32, i32
  }
  func.func @transform_2(%arg0: i32) -> (i32, i32) {
    %c0_i32 = arith.constant 0 : i32
    %c0_i32_0 = arith.constant 0 : i32
    %c0_i32_1 = arith.constant 0 : i32
    return %c0_i32, %c0_i32_0 : i32, i32
  }
  func.func @transform_3(%arg0: i32) -> (i32, i32, i32) {
    %c0_i32 = arith.constant 0 : i32
    %c0_i32_0 = arith.constant 0 : i32
    %c0_i32_1 = arith.constant 0 : i32
    return %arg0, %c0_i32, %c0_i32_0 : i32, i32, i32
  }
}

</mosaic_0001>

<sc_bundles>
// kernel: sparse-core-data-format-call.1.cloned.1.call-start
scs
called_computation.1_lowered:
.L_overlay_start_0:
0x0: {  	s2 =	sld [smem:$0x3FD9]  }
0x1: {  	s3 =	sld [smem:$0x3FFE];
	_ =	sdelay $0x1  }
0x2: {  	s1 =	srdreg.scid  }
0x3: {  	s0 =	sand.u32 $0x1, s1  }
0x4: {  	s15 =	sshll.u32 s0, $0xA;
	s2 =	sadd.s32 s3, s2  }
0x5: {  	s2 =	sadd.s32 s2, s15  }
0x6: {  	[smem:$0x3FBF] =	sst s2  }
0x7: {  	_ = 	snop  }
0x8: {  	s2 =	sld [smem:$0x3FD0];
	_ =	sdelay $0x2  }
0x9: {  	s16 =	simm.s32 $0xA;
	s4 =	simm.s32 $0x10  }
0xa: {  	[smem:s4], [sflag:s16] =	dma.local [hbm:s2], $0x1  }
0xb: {  	_ =	swait.eq [sflag:s16], $0x1  }
0xc: {  	[sflag:s16] =	ssyncset.done $0x0  }
0xd: {  	[sflag:s16] =	ssyncadd.s32 $0xFFFFFFFF  }
0xe: {  	s17 =	sld [smem:$0x11];
	(tm) =	ssettm $0x1  }
0xf: {  	s18 =	sld [smem:$0x3FFB];
	_ =	sdelay $0x3  }
0x10: {  	_ =	strace s18  }
0x11: {  	s3 =	sld [smem:$0x3FFC];
	_ =	sdelay $0x3  }
0x12: {  	_ =	strace s3  }
0x13: {  	s3 =	sld [smem:$0x3FFD];
	_ =	sdelay $0x3  }
0x14: {  	_ =	strace s3  }
0x15: {  	_ =	strace $0x8FFFFFFF  }
0x16: {  	s19 =	sld [smem:$0x3FDB];
	_ =	sdelay $0x1  }
0x17: {  	s20 =	simm.s32 $_scs_section_size  }
0x18: {  	s5 =	simm.s32 $_size__tile_overlayer_lowered;
	s6 =	simm.s32 $_tile_overlayer_lowered  }
0x19: {  	s23 =	simm.s32 $0x1BFF;
	s22 =	sshll.u32 s6, $0x1;
	s3 =	sadd.s32 s20, s19  }
0x1a: {  	s7 =	simm.s32 $0x0;
	s21 =	sshll.u32 s5, $0x1;
	s5 =	sadd.s32 s22, s3  }
0x1b: {  	[timem:s7], [sflag:s23] =	dma.local [hbm:s5], s21  }
0x1c: {  	_ =	swait.ge [sflag:s23], s21  }
0x1d: {  	s4 =	ssub.s32 $0x0, s21;
	[sflag:s23] =	ssyncset.done $0x0  }
0x1e: {  	[sflag:s23] =	ssyncadd.s32 s4;
	_ =	sdelay $0x1  }
0x1f: {  	s24 =	simm.s32 $0x1B8B  }
0x20: {  	_ =	swait.ge [sflag:s24], $0x1  }
0x21: {  	[sflag:s24] =	ssyncset.done $0x0  }
0x22: {  	s26 =	simm.s32 $0x1B8E;
	s25 =	sld [smem:$0x3FFE];
	[sflag:s24] =	ssyncadd.s32 $0xFFFFFFFF  }
0x23: {  	s27 =	simm.s32 $execute0_lowered;
	[smem:$0x3FD2] =	sst s26  }
0x24: {  	s5 =	sshll.u32 s27, $0x1;
	_ =	strace $0x80000046;
	[dreg:$0x1] =	wrdreg $0xFFFFFFFF  }
0x25: {  	s28 =	simm.s32 $_size_execute0_lowered;
	s3 =	sadd.s32 s3, s5;
	[dreg:$0x0] =	wrdreg $0x0  }
0x26: {  	s5 =	sshll.u32 s28, $0x1;
	[dreg:$0x2] =	wrdreg s3  }
0x27: {  	[dreg:$0x3] =	wrdreg s5  }
0x28: {  	[dreg:$0x4] =	wrdreg $0xC0  }
0x29: {  	_ =	task [dreg:s7], $0x5FFFF  }
0x2a: {  	[dreg:$0x1] =	wrdreg $0xFFFFFFFF  }
0x2b: {  	[dreg:$0x0] =	wrdreg $0x60  }
0x2c: {  	[dreg:$0x2] =	wrdreg s17  }
0x2d: {  	[dreg:$0x3] =	wrdreg s25  }
0x2e: {  	[dreg:$0x4] =	wrdreg $0x9  }
0x2f: {  	_ =	task.clear_ibuf [dreg:s7], $0x5FFFF;
	_ =	strace $0x90000046  }
0x30: {  	s29 =	simm.s32 $0x9;
	_ =	strace $0x80000048  }
0x31: {  	_ =	swait.ge [sflag:s29], $0x1  }
0x32: {  	[sflag:s29] =	ssyncadd.s32 $0xFFFFFFFF  }
0x33: {  	_ =	strace $0x90000048  }
0x34: {  	_ =	sfence  }
0x35: {  	s30 =	sld [smem:$0x0];
	_ =	sdelay $0x2  }
0x36: {  	s31 =	sshll.u32 s1, $0xD;
	s1 =	sshrl.u32 s1, $0x2  }
0x37: {  	s3 =	sand.u32 $0x4000, s31;
	s1 =	sadd.s32 s1, s30  }
0x38: {  	s0 =	sor.u32 s3, s0;
	s1 =	sshll.u32 s1, $0x11  }
0x39: {  	s0 =	sor.u32 s1, s0  }
0x3a: {  	s0 =	sadd.s32 $0x8F2B, s0  }
0x3b: {  	[sflag:s0] =	ssyncadd.remote.s32 $0x1  }
0x3c: {  	_ =	sfence.sel $0xFFFF  }
0x3d: {  	[dreg:$0x0] =	wrdreg $0xFFFFFFFF;
	(pc) =	sbr.abs _section_cstart, $3  }
0x3e: {  	[dreg:$0x1] =	wrdreg $0xFFFFFFFF  }
0x3f: {  	_ =	task.clear_ibuf [dreg:s7], $0x2FFFF;
	_ =	strace $0x9FFFFFFF  }
0x40: {  	(tm) =	ssettm $0x7FFFFFFF  }
0x41: {  	_ =	shalt  }
tec
execute0_lowered:
.L_overlay_start_1:
0x0: {  	(tag) =	ssettag $0x1  }
0x1: {  	s0 =	stileid.u32  }
0x2: {  	s1 =	srdreg.scid;
	s7 =	rddreg [dreg:$0x1]  }
0x3: {  	s31 =	simm.s32 $0x2;
	s15 =	simm.s32 $0x0;
	s14 =	simm.s32 $0x0  }
0x4: {  	s16 =	simm.s32 $0x0;
	s2 =	sshll.u32 s0, $0x6;
	s1 =	sshll.u32 s1, $0xA  }
0x5: {  	s11 =	simm.s32 $0x0;
	s3 =	sand.u32 $0x1, s0;
	s1 =	sor.u32 s2, s1  }
0x6: {  	s13 =	simm.s32 $0x0;
	s5 =	ssub.s32 $0x2, s3;
	s1 =	sand.u32 $0x780, s1  }
0x7: {  	s8 =	sshrl.u32 s5, $0x1;
	s5 =	sand.u32 $0x1, s5;
	s4 =	ssub.s32 $0xF000, s1  }
0x8: {  	s2 =	rddreg [dreg:$0x0];
	s8 =	sadd.s32 s5, s8;
	s6 =	sand.u32 $0x780, s4  }
0x9: {  	s5 =	simm.s32 $0x1;
	p0 =	sne.s32 s6, $0x0;
	s6 =	simm.s32 $0x1  }
.Ltmp0:
0xa: {  	s9 =	sshrl.u32 s4, $0xB;
	s6 =	simm.s32 @!p0 $0x0;
	(pc) =	sbr.rel .LBB1_1-.Ltmp0, $4  }
0xb: {  	s4 =	rddreg [dreg:$0x2];
	_ =	strace $0x80000047;
	s6 =	sadd.s32 s6, s9  }
0xc: {  	s7 =	sadd.s32 $0x45800, s7;
	[sflag:s5] =	ssyncpa.u1 $0x0;
	s6 =	smul.u32 s8, s6  }
0xd: {  	s12 =	smov.u32 s3;
	s10 =	smov.u32 s1;
	[sflag:s31] =	ssyncpa.u1 $0x0  }
0xe: {  	p0 =	por $0x0, $0x0;
	s9 =	simm.s32 $0x100;
	s8 =	sadd.s32 $0x1, s6  }
.LBB1_4:
0xf: {  	v5 =	vld [tilespmem:s20+$0xFFFFFFD0];
	[tilespmem:s19+$0x2040 ss:$0x81] =	vst.msk $0xffff, v1  }
0x10: {  	v58 =	vld [tilespmem:s20+$0xFFFFFFE0];
	[tilespmem:s19+$0x2850 ss:$0x81] =	vst.msk $0xffff, v2  }
0x11: {  	s21 =	sshra.s32 s21, $0x2;
	v59 =	vld [tilespmem:s20+$0xFFFFFFF0];
	[tilespmem:s19+$0x3060 ss:$0x81] =	vst.msk $0xffff, v3  }
0x12: {  	v60 =	vld [tilespmem:s20+$0x0];
	[tilespmem:s19+$0x0 ss:$0x81] =	vst.msk $0xffff, v0;
	s18 =	sadd.s32 s21, s18  }
0x13: {  	v61 =	vld [tilespmem:s20+$0x10];
	[tilespmem:s18+$0x3870 ss:$0x81] =	vst.msk $0xffff, v4  }
0x14: {  	v62 =	vld [tilespmem:s20+$0x20];
	[tilespmem:s18+$0x810 ss:$0x81] =	vst.msk $0xffff, v5  }
0x15: {  	v63 =	vld [tilespmem:s20+$0xFFFFFFC0];
	[tilespmem:s18+$0x1020 ss:$0x81] =	vst.msk $0xffff, v58  }
0x16: {  	s16 =	sshll.u32 s16, $0x4;
	[tilespmem:s18+$0x1830 ss:$0x81] =	vst.msk $0xffff, v59  }
0x17: {  	s15 =	sshll.u32 s15, $0x5;
	s16 =	sand.u32 $0x10, s16;
	[tilespmem:s18+$0x2040 ss:$0x81] =	vst.msk $0xffff, v60  }
0x18: {  	s30 =	sshrl.u32 s14, $0x3;
	s31 =	sand.u32 $0x7, s14;
	s16 =	sadd.s32 s7, s16;
	[tilespmem:s18+$0x2850 ss:$0x81] =	vst.msk $0xffff, v61  }
0x19: {  	s19 =	sand.u32 $0xF, s30;
	s14 =	sshll.u32 s31, $0x12;
	s15 =	sadd.s32 s15, s16;
	[tilespmem:s18+$0x3060 ss:$0x81] =	vst.msk $0xffff, v62  }
0x1a: {  	s14 =	sor.u32 $0x80, s14;
	s15 =	sadd.s32 s19, s15;
	[tilespmem:s18+$0x0 ss:$0x81] =	vst.msk $0xffff, v63  }
0x1b: {  	[hbm4b:s15+s14] =	stream.strided.scatter [tilespmem:s17], [sflag:$0x2], $0x4000, s9, s14, $0x20;
	[tilespmem:$0x10100] =	vst v63  }
.LBB1_5:
0x1c: {  	s17 =	sadd.s32 $0x800, s10  }
0x1d: {  	s14 =	sadd.s32 $0x80, s11;
	s18 =	smov.u32 s11;
	p2 =	sgt.s32 s17, $0xEFFF  }
0x1e: {  	s18 =	smov.u32 @p2 s14  }
0x1f: {  	s20 =	smov.u32 s12;
	s14 =	sadd.s32 $0x2, s12;
	p3 =	sgt.s32 s18, $0x7F  }
0x20: {  	s20 =	smov.u32 @p3 s14  }
0x21: {  	s17 =	smov.u32 @p2 s1;
	p2 =	sgt.s32 s20, $0x1  }
0x22: {  	p1 =	slt.u32 s13, $0x2;
	s20 =	smov.u32 @p2 s3;
	p2 =	sne.s32 s13, s8  }
.Ltmp1:
0x23: {  	s19 =	simm.s32 @!p1 $0x2;
	(pc) =	sbr.rel @!p2 .LBB1_6-.Ltmp1, $4  }
0x24: {  	s15 =	smov.u32 s10;
	s16 =	smov.u32 s12;
	_ =	swait.ge @!p1 [sflag:s19], $0x4000  }
0x25: {  	p0 =	por !p0, !p0;
	[sflag:s19] =	ssyncset.done @!p1 $0x0;
	s10 =	smov.u32 s17  }
0x26: {  	s18 =	simm.s32 @p3 $0x0;
	s14 =	smov.u32 s11;
	[sflag:s19] =	ssyncadd.s32 @!p1 $0xFFFFC000  }
0x27: {  	s11 =	smov.u32 s18;
	s13 =	sadd.s32 $0x1, s13;
	s12 =	smov.u32 s20  }
.LBB1_1:
0x28: {  	p1 =	sge.u32 s13, s6  }
0x29: {  	s17 =	sshrl.u32 @!p1 s11, $0x3  }
0x2a: {  	s18 =	sshll.u32 @!p1 s10, $0x3;
	s19 =	sshll.u32 @!p1 s11, $0x7;
	s17 =	smul.u32 @!p1 $0x78000, s17  }
0x2b: {  	s20 =	sand.u32 @!p1 $0x7F, s10;
	s18 =	sand.u32 @!p1 $0xFFFFFC00, s18;
	s19 =	sand.u32 @!p1 $0x380, s19  }
0x2c: {  	s17 =	sadd.s32 @!p1 s17, s18;
	s18 =	sor.u32 @!p1 s20, s19  }
0x2d: {  	s18 =	sor.u32 @!p1 s17, s18  }
0x2e: {  	s19 =	smulhi.u32 @!p1 $0x88888889, s18  }
0x2f: {  	s17 =	smulhi.u32 @!p1 $0x88888889, s17  }
0x30: {  	s19 =	sshrl.u32 @!p1 s19, $0xF  }
0x31: {  	s31 =	sadd.s32 $0xFFFFFFFF, s13;
	s17 =	sshrl.u32 @!p1 s17, $0xF;
	s19 =	smul.u32 @!p1 $0xF000, s19  }
0x32: {  	s21 =	smul.u32 @!p1 $0xF0000, s12;
	s20 =	sxor.u32 @!p1 $0xFFFFFFFF, s13;
	s17 =	sand.u32 @!p1 $0x7F, s17  }
0x33: {  	s20 =	sshll.u32 @!p1 s20, $0xE;
	s17 =	smul.u32 @!p1 $0x1E00, s17;
	s18 =	ssub.s32 @!p1 s18, s19  }
0x34: {  	s19 =	sand.u32 @!p1 $0x4000, s20;
	s20 =	sadd.s32 @!p1 s2, s21;
	s21 =	sand.u32 @!p1 $0x7, s18  }
0x35: {  	s18 =	sshrl.u32 @!p1 s18, $0x3;
	s17 =	sadd.s32 @!p1 s17, s20;
	s20 =	sshll.u32 @!p1 s21, $0x12  }
0x36: {  	s17 =	sadd.s32 @!p1 s18, s17;
	s18 =	sor.u32 @!p1 $0x400, s20;
	s20 =	simm.s32 @!p1 $0x78000  }
0x37: {  	[tilespmem:s19], [sflag:$0x1] =	stream.strided.gather @!p1 [hbm4b:s17+s18], $0x4000, s20, s18, $0x38;
	[tilespmem:$0x10100] =	vst v63  }
0x38: {  	p1 =	sge.u32 s31, s6  }
.Ltmp2:
0x39: {  	_ = 	snop;
	(pc) =	sbr.rel @p1 .LBB1_5-.Ltmp2, $1  }
0x3a: {  	_ =	sdelay $0x3  }
0x3b: {  	s17 =	simm.s32 $0x1  }
0x3c: {  	_ =	swait.ge [sflag:s5], $0x4000;
	s17 =	simm.s32 @!p0 $0x0  }
0x3d: {  	[sflag:s5] =	ssyncset.done $0x0;
	s18 =	sshll.u32 s17, $0xE  }
0x3e: {  	[sflag:s5] =	ssyncadd.s32 $0xFFFFC000;
	s20 =	sor.u32 $0x40, s18  }
0x3f: {  	s17 =	smul.u32 $0x10200, s17;
	v0 =	vld [tilespmem:s20+$0x30]  }
0x40: {  	v3 =	vld [tilespmem:s20+$0xFFFFFFD0]  }
0x41: {  	s17 =	sshrl.u32 s17, $0x2;
	v4 =	vld [tilespmem:s20+$0xFFFFFFE0]  }
0x42: {  	v5 =	vld [tilespmem:s20+$0xFFFFFFF0];
	s18 =	sor.u32 $0x8000, s17  }
0x43: {  	s31 =	sand.u32 $0x1, s13;
	v1 =	vld [tilespmem:s20+$0x0];
	s19 =	sadd.s32 $0x0, s18  }
0x44: {  	v2 =	vld [tilespmem:s20+$0x10];
	s17 =	smul.u32 $0x10200, s31;
	[tilespmem:s19+$0x3870 ss:$0x81] =	vst.msk $0xffff, v0  }
0x45: {  	[tilespmem:s19+$0x810 ss:$0x81] =	vst.msk $0xffff, v3;
	v3 =	vld [tilespmem:s20+$0x20]  }
0x46: {  	s17 =	sshrl.u32 s17, $0x2;
	v0 =	vld [tilespmem:s20+$0xFFFFFFC0];
	[tilespmem:s19+$0x1020 ss:$0x81] =	vst.msk $0xffff, v4;
	s20 =	sadd.s32 $0x80, s20  }
0x47: {  	s21 =	simm.s32 $0x4;
	s22 =	simm.s32 $0x8;
	s17 =	sor.u32 $0x8000, s17;
	[tilespmem:s19+$0x1830 ss:$0x81] =	vst.msk $0xffff, v5;
	v4 =	vld [tilespmem:s20+$0x30]  }
.LBB1_3:
0x48: {  	p1 =	sne.s32 s22, $0x1FC;
	v5 =	vld [tilespmem:s20+$0xFFFFFFD0];
	[tilespmem:s19+$0x2040 ss:$0x81] =	vst.msk $0xffff, v1  }
0x49: {  	v6 =	vld [tilespmem:s20+$0xFFFFFFE0];
	[tilespmem:s19+$0x2850 ss:$0x81] =	vst.msk $0xffff, v2  }
0x4a: {  	s23 =	sshra.s32 s21, $0x2;
	s21 =	smov.u32 s22;
	v7 =	vld [tilespmem:s20+$0xFFFFFFF0];
	[tilespmem:s19+$0x3060 ss:$0x81] =	vst.msk $0xffff, v3  }
.Ltmp3:
0x4b: {  	v1 =	vld [tilespmem:s20+$0x0];
	[tilespmem:s19+$0x0 ss:$0x81] =	vst.msk $0xffff, v0;
	s19 =	sadd.s32 s23, s18;
	(pc) =	sbr.rel @p1 .LBB1_3-.Ltmp3, $4  }
0x4c: {  	v2 =	vld [tilespmem:s20+$0x10];
	[tilespmem:s19+$0x3870 ss:$0x81] =	vst.msk $0xffff, v4  }
0x4d: {  	[tilespmem:s19+$0x810 ss:$0x81] =	vst.msk $0xffff, v5;
	v3 =	vld [tilespmem:s20+$0x20]  }
0x4e: {  	v0 =	vld [tilespmem:s20+$0xFFFFFFC0];
	[tilespmem:s19+$0x1020 ss:$0x81] =	vst.msk $0xffff, v6;
	s20 =	sadd.s32 $0x80, s20  }
0x4f: {  	s22 =	sadd.s32 $0x4, s22;
	v4 =	vld [tilespmem:s20+$0x30];
	[tilespmem:s19+$0x1830 ss:$0x81] =	vst.msk $0xffff, v7  }
.Ltmp4:
0x50: {  	_ = 	snop;
	(pc) =	sbr.rel .LBB1_4-.Ltmp4, $1  }
0x51: {  	_ =	sdelay $0x3  }
.LBB1_6:
0x52: {  	_ =	sfence.sel $0x180000  }
0x53: {  	s1 =	simm.s32 $0x1;
	[bflag:$0x0] =	sbarrier.arrive $0xFFFF  }
0x54: {  	s31 =	simm.s32 $0x2;
	[sflag:s1] =	ssyncpa.u1 $0x1  }
0x55: {  	[sflag:s31] =	ssyncpa.u1 $0x1  }
0x56: {  	p0 =	sne.s32 s0, $0x0;
	_ =	strace $0x90000047  }
0x57: {  	s0 =	sadd.s32 @!p0 $0x100000, s4;
	[bflag:$0x2] =	sbarrier.arrive $0xFFFF  }
0x58: {  	[sflag:s0] =	ssyncadd.tile.s32 @!p0 $0x1;
	_ =	shalt  }
.Lfunc_end1:
_tile_overlayer_lowered:
.L_overlay_start_2:
0x59: {  	(tag) =	ssettag $0x2  }
0x5a: {  	s0 =	rddreg [dreg:$0x0];
	s2 =	stileid.u32  }
0x5b: {  	s1 =	rddreg [dreg:$0x1];
	p0 =	sne.s32 s2, $0x0  }
0x5c: {  	s3 =	rddreg [dreg:$0x2];
	[bflag:$0x3] =	sbarrier.arrive $0xFFFF;
	s2 =	simm.s32 @!p0 $0x1C01  }
0x5d: {  	[timem:s3], [sflag:s2] =	dma.local @!p0 [hbm:s0], s1  }
0x5e: {  	s0 =	simm.s32 @!p0 $0x1  }
0x5f: {  	_ =	swait.ge @!p0 [sflag:s0], s1  }
0x60: {  	s1 =	ssub.s32 @!p0 $0x0, s1;
	[sflag:s0] =	ssyncset.done @!p0 $0x0  }
0x61: {  	[sflag:s0] =	ssyncadd.s32 @!p0 s1  }
0x62: {  	[bflag:$0x3] =	sbarrier.arrive $0xFFFF  }
0x63: {  	_ =	shalt  }

// kernel: sparse-core-data-format-call.cloned.1.call-start
scs
called_computation_lowered:
.L_overlay_start_0:
0x0: {  	s2 =	sld [smem:$0x3FD9]  }
0x1: {  	s3 =	sld [smem:$0x3FFE];
	_ =	sdelay $0x1  }
0x2: {  	s1 =	srdreg.scid  }
0x3: {  	s0 =	sand.u32 $0x1, s1  }
0x4: {  	s15 =	sshll.u32 s0, $0xA;
	s2 =	sadd.s32 s3, s2  }
0x5: {  	s2 =	sadd.s32 s2, s15  }
0x6: {  	[smem:$0x3FBF] =	sst s2  }
0x7: {  	_ = 	snop  }
0x8: {  	s2 =	sld [smem:$0x3FD0];
	_ =	sdelay $0x2  }
0x9: {  	s16 =	simm.s32 $0xA;
	s4 =	simm.s32 $0x10  }
0xa: {  	[smem:s4], [sflag:s16] =	dma.local [hbm:s2], $0x1  }
0xb: {  	_ =	swait.eq [sflag:s16], $0x1  }
0xc: {  	[sflag:s16] =	ssyncset.done $0x0  }
0xd: {  	[sflag:s16] =	ssyncadd.s32 $0xFFFFFFFF  }
0xe: {  	s17 =	sld [smem:$0x11];
	(tm) =	ssettm $0x1  }
0xf: {  	s18 =	sld [smem:$0x3FFB];
	_ =	sdelay $0x3  }
0x10: {  	_ =	strace s18  }
0x11: {  	s3 =	sld [smem:$0x3FFC];
	_ =	sdelay $0x3  }
0x12: {  	_ =	strace s3  }
0x13: {  	s3 =	sld [smem:$0x3FFD];
	_ =	sdelay $0x3  }
0x14: {  	_ =	strace s3  }
0x15: {  	_ =	strace $0x8FFFFFFF  }
0x16: {  	s19 =	sld [smem:$0x3FDB];
	_ =	sdelay $0x1  }
0x17: {  	s20 =	simm.s32 $_scs_section_size  }
0x18: {  	s5 =	simm.s32 $_size__tile_overlayer_lowered;
	s6 =	simm.s32 $_tile_overlayer_lowered  }
0x19: {  	s23 =	simm.s32 $0x1BFF;
	s22 =	sshll.u32 s6, $0x1;
	s3 =	sadd.s32 s20, s19  }
0x1a: {  	s7 =	simm.s32 $0x0;
	s21 =	sshll.u32 s5, $0x1;
	s5 =	sadd.s32 s22, s3  }
0x1b: {  	[timem:s7], [sflag:s23] =	dma.local [hbm:s5], s21  }
0x1c: {  	_ =	swait.ge [sflag:s23], s21  }
0x1d: {  	s4 =	ssub.s32 $0x0, s21;
	[sflag:s23] =	ssyncset.done $0x0  }
0x1e: {  	[sflag:s23] =	ssyncadd.s32 s4;
	_ =	sdelay $0x1  }
0x1f: {  	s24 =	simm.s32 $0x1B8B  }
0x20: {  	_ =	swait.ge [sflag:s24], $0x1  }
0x21: {  	[sflag:s24] =	ssyncset.done $0x0  }
0x22: {  	s26 =	simm.s32 $0x1B8E;
	s25 =	sld [smem:$0x3FFE];
	[sflag:s24] =	ssyncadd.s32 $0xFFFFFFFF  }
0x23: {  	s27 =	simm.s32 $execute0_lowered;
	[smem:$0x3FD2] =	sst s26  }
0x24: {  	s5 =	sshll.u32 s27, $0x1;
	_ =	strace $0x80000049;
	[dreg:$0x1] =	wrdreg $0xFFFFFFFF  }
0x25: {  	s28 =	simm.s32 $_size_execute0_lowered;
	s3 =	sadd.s32 s3, s5;
	[dreg:$0x0] =	wrdreg $0x0  }
0x26: {  	s5 =	sshll.u32 s28, $0x1;
	[dreg:$0x2] =	wrdreg s3  }
0x27: {  	[dreg:$0x3] =	wrdreg s5  }
0x28: {  	[dreg:$0x4] =	wrdreg $0xC0  }
0x29: {  	_ =	task [dreg:s7], $0x5FFFF  }
0x2a: {  	[dreg:$0x1] =	wrdreg $0xFFFFFFFF  }
0x2b: {  	[dreg:$0x0] =	wrdreg $0x60  }
0x2c: {  	[dreg:$0x2] =	wrdreg s25  }
0x2d: {  	[dreg:$0x3] =	wrdreg s17  }
0x2e: {  	[dreg:$0x4] =	wrdreg $0x9  }
0x2f: {  	_ =	task.clear_ibuf [dreg:s7], $0x5FFFF;
	_ =	strace $0x90000049  }
0x30: {  	s29 =	simm.s32 $0x9;
	_ =	strace $0x8000004B  }
0x31: {  	_ =	swait.ge [sflag:s29], $0x1  }
0x32: {  	[sflag:s29] =	ssyncadd.s32 $0xFFFFFFFF  }
0x33: {  	_ =	strace $0x9000004B  }
0x34: {  	_ =	sfence  }
0x35: {  	s30 =	sld [smem:$0x0];
	_ =	sdelay $0x2  }
0x36: {  	s31 =	sshll.u32 s1, $0xD;
	s1 =	sshrl.u32 s1, $0x2  }
0x37: {  	s3 =	sand.u32 $0x4000, s31;
	s1 =	sadd.s32 s1, s30  }
0x38: {  	s0 =	sor.u32 s3, s0;
	s1 =	sshll.u32 s1, $0x11  }
0x39: {  	s0 =	sor.u32 s1, s0  }
0x3a: {  	s0 =	sadd.s32 $0x8F2B, s0  }
0x3b: {  	[sflag:s0] =	ssyncadd.remote.s32 $0x1  }
0x3c: {  	_ =	sfence.sel $0xFFFF  }
0x3d: {  	[dreg:$0x0] =	wrdreg $0xFFFFFFFF;
	(pc) =	sbr.abs _section_cstart, $3  }
0x3e: {  	[dreg:$0x1] =	wrdreg $0xFFFFFFFF  }
0x3f: {  	_ =	task.clear_ibuf [dreg:s7], $0x2FFFF;
	_ =	strace $0x9FFFFFFF  }
0x40: {  	(tm) =	ssettm $0x7FFFFFFF  }
0x41: {  	_ =	shalt  }
tec
execute0_lowered:
.L_overlay_start_1:
0x0: {  	(tag) =	ssettag $0x1  }
0x1: {  	s0 =	srdreg.scid  }
0x2: {  	s1 =	sshll.u32 s0, $0x4  }
0x3: {  	s0 =	stileid.u32;
	s1 =	sand.u32 $0x10, s1  }
0x4: {  	s1 =	sor.u32 s0, s1  }
0x5: {  	s6 =	rddreg [dreg:$0x0];
	s4 =	simm.s32 $0x1;
	s2 =	sshll.u32 s1, $0x6  }
0x6: {  	s7 =	simm.s32 $0x2;
	s13 =	simm.s32 $0x0;
	s1 =	ssub.s32 $0x800, s2  }
0x7: {  	s8 =	simm.s32 $0x2000;
	s9 =	simm.s32 $0x780000;
	s3 =	sand.u32 $0x7C0, s1  }
0x8: {  	s14 =	simm.s32 $0x0;
	s5 =	sshrl.u32 s1, $0xB;
	p0 =	sne.s32 s3, $0x0  }
.Ltmp0:
0x9: {  	s1 =	rddreg [dreg:$0x2];
	s4 =	simm.s32 @!p0 $0x0;
	(pc) =	sbr.rel .LBB1_1-.Ltmp0, $4  }
0xa: {  	s10 =	simm.s32 $0x0;
	s3 =	rddreg [dreg:$0x1];
	s5 =	sadd.s32 s4, s5  }
0xb: {  	_ =	strace $0x8000004A;
	s4 =	simm.s32 $0x1;
	s5 =	smul.u32 $0x1E, s5  }
0xc: {  	s12 =	simm.s32 $0x0;
	s6 =	sadd.s32 $0x45800, s6;
	[sflag:s4] =	ssyncpa.u1 $0x0  }
0xd: {  	s11 =	smov.u32 s2;
	[sflag:s7] =	ssyncpa.u1 $0x0;
	s7 =	sor.u32 $0x1, s5  }
.LBB1_7:
0xe: {  	s15 =	sadd.s32 $0x1, s10  }
0xf: {  	s13 =	sadd.s32 $0x800, s11;
	s17 =	smov.u32 s11;
	p1 =	sgt.s32 s15, $0x1D  }
0x10: {  	s17 =	smov.u32 @p1 s13  }
0x11: {  	s15 =	simm.s32 @p1 $0x0;
	p1 =	sgt.s32 s17, $0x7FF  }
0x12: {  	s17 =	smov.u32 @p1 s2;
	p1 =	sne.s32 s12, s7  }
.Ltmp1:
0x13: {  	p0 =	slt.u32 s12, $0x2;
	(pc) =	sbr.rel @!p1 .LBB1_8-.Ltmp1, $4  }
0x14: {  	s16 =	simm.s32 @!p0 $0x2  }
0x15: {  	s14 =	smov.u32 s11;
	_ =	swait.ge @!p0 [sflag:s16], $0x4000  }
0x16: {  	s13 =	smov.u32 s10;
	[sflag:s16] =	ssyncset.done @!p0 $0x0;
	s10 =	smov.u32 s15  }
0x17: {  	s12 =	sadd.s32 $0x1, s12;
	[sflag:s16] =	ssyncadd.s32 @!p0 $0xFFFFC000;
	s11 =	smov.u32 s17  }
.LBB1_1:
0x18: {  	p0 =	sge.u32 s12, s5  }
0x19: {  	s16 =	smul.u32 @!p0 $0x3C0, s11  }
0x1a: {  	s31 =	sadd.s32 $0xFFFFFFFF, s12;
	s15 =	sxor.u32 @!p0 $0xFFFFFFFF, s12;
	s17 =	sshll.u32 @!p0 s10, $0x5  }
0x1b: {  	s18 =	simm.s32 @!p0 $0x1E00;
	s15 =	sshll.u32 @!p0 s15, $0xE;
	s16 =	sadd.s32 @!p0 s6, s16  }
0x1c: {  	s15 =	sand.u32 @!p0 $0x4000, s15;
	s16 =	sadd.s32 @!p0 s17, s16;
	s17 =	simm.s32 @!p0 $0x100  }
0x1d: {  	[tilespmem:s15], [sflag:$0x1] =	stream.strided.gather @!p0 [hbm4b:s16+s17], $0x4000, s18, s17, $0x38;
	[tilespmem:$0x10000] =	vst v63  }
0x1e: {  	p0 =	sge.u32 s31, s5  }
.Ltmp2:
0x1f: {  	_ = 	snop;
	(pc) =	sbr.rel @p0 .LBB1_7-.Ltmp2, $1  }
0x20: {  	_ =	sdelay $0x3  }
0x21: {  	_ =	swait.ge [sflag:s4], $0x4000;
	s15 =	sshll.u32 s12, $0xE  }
0x22: {  	[sflag:s4] =	ssyncset.done $0x0;
	s16 =	sand.u32 $0x4000, s15  }
0x23: {  	s17 =	simm.s32 $0x0;
	[sflag:s4] =	ssyncadd.s32 $0xFFFFC000;
	s15 =	sor.u32 $0x8000, s16  }
.LBB1_3:
0x24: {  	s18 =	sshll.u32 s17, $0x8  }
0x25: {  	s18 =	sand.u32 $0x3FFFFF00, s18  }
0x26: {  	s19 =	sshll.u32 s17, $0x7;
	s18 =	sadd.s32 s18, s16  }
0x27: {  	s19 =	sand.u32 $0x3FFFFF80, s19;
	v0 =	vmov s18  }
0x28: {  	s19 =	sadd.s32 s19, s15  }
0x29: {  	p0 =	por $0x1, $0x1;
	v1 =	vmov s19;
	s18 =	simm.s32 $0x0  }
.LBB1_4:
0x2a: {  	s19 =	sshll.u32 s18, $0x7  }
0x2b: {  	s19 =	sand.u32 $0x3FFFFF80, s19  }
0x2c: {  	v2 =	vld.idx.msk [tilespmem:v0+s19+$0x0 ss:$0x1], $0xffff  }
0x2d: {  	v3 =	vld.idx.msk [tilespmem:v0+s19+$0x10 ss:$0x1], $0xffff  }
0x2e: {  	v4 =	vld.idx.msk [tilespmem:v0+s19+$0x20 ss:$0x1], $0xffff  }
0x2f: {  	s31 =	sshll.u32 s18, $0xD;
	v5 =	vld.idx.msk [tilespmem:v0+s19+$0x30 ss:$0x1], $0xffff  }
0x30: {  	s18 =	sand.u32 $0x3FFFE000, s31;
	v6 =	vld.idx.msk [tilespmem:v0+s19+$0x40 ss:$0x1], $0xffff  }
0x31: {  	v63 =	vld.idx.msk [tilespmem:v0+s19+$0x70 ss:$0x1], $0xffff;
	[tilespmem:v1+s18+$0x0 ss:$0x1] =	vst.idx.msk $0xffff, v2  }
0x32: {  	v2 =	vld.idx.msk [tilespmem:v0+s19+$0x50 ss:$0x1], $0xffff;
	[tilespmem:v1+s18+$0x10 ss:$0x1] =	vst.idx.msk $0xffff, v3  }
0x33: {  	p1 =	por p0, p0;
	v3 =	vld.idx.msk [tilespmem:v0+s19+$0x60 ss:$0x1], $0xffff;
	[tilespmem:v1+s18+$0x20 ss:$0x1] =	vst.idx.msk $0xffff, v4  }
.Ltmp3:
0x34: {  	[tilespmem:v1+s18+$0x30 ss:$0x1] =	vst.idx.msk $0xffff, v5;
	(pc) =	sbr.rel @p1 .LBB1_4-.Ltmp3, $4  }
0x35: {  	[tilespmem:v1+s18+$0x40 ss:$0x1] =	vst.idx.msk $0xffff, v6  }
0x36: {  	[tilespmem:v1+s18+$0x70 ss:$0x1] =	vst.idx.msk $0xffff, v63  }
0x37: {  	[tilespmem:v1+s18+$0x50 ss:$0x1] =	vst.idx.msk $0xffff, v2  }
0x38: {  	p0 =	por $0x0, $0x0;
	[tilespmem:v1+s18+$0x60 ss:$0x1] =	vst.idx.msk $0xffff, v3;
	s18 =	simm.s32 $0x1  }
0x39: {  	s17 =	sadd.s32 $0x1, s17  }
0x3a: {  	p0 =	sne.s32 s17, $0x40  }
.Ltmp4:
0x3b: {  	_ = 	snop;
	(pc) =	sbr.rel @p0 .LBB1_3-.Ltmp4, $1  }
0x3c: {  	_ =	sdelay $0x3  }
.Ltmp5:
0x3d: {  	s14 =	sshll.u32 s14, $0x4;
	(pc) =	sbr.rel .LBB1_7-.Ltmp5, $4  }
0x3e: {  	s14 =	sand.u32 $0x7FF0, s14  }
0x3f: {  	s13 =	sshll.u32 s13, $0xF;
	s14 =	sadd.s32 s3, s14  }
0x40: {  	s13 =	sadd.s32 s13, s14  }
0x41: {  	[hbm4b:s13+s8] =	stream.strided.scatter [tilespmem:s15], [sflag:$0x2], $0x4000, s9, s8, $0x38;
	[tilespmem:$0x10000] =	vst v63  }
.LBB1_8:
0x42: {  	_ =	sfence.sel $0x180000  }
0x43: {  	s2 =	simm.s32 $0x1;
	[bflag:$0x0] =	sbarrier.arrive $0xFFFF  }
0x44: {  	s31 =	simm.s32 $0x2;
	[sflag:s2] =	ssyncpa.u1 $0x1  }
0x45: {  	[sflag:s31] =	ssyncpa.u1 $0x1  }
0x46: {  	p0 =	sne.s32 s0, $0x0;
	_ =	strace $0x9000004A  }
0x47: {  	s0 =	sadd.s32 @!p0 $0x100000, s1;
	[bflag:$0x2] =	sbarrier.arrive $0xFFFF  }
0x48: {  	[sflag:s0] =	ssyncadd.tile.s32 @!p0 $0x1;
	_ =	shalt  }
.Lfunc_end1:
_tile_overlayer_lowered:
.L_overlay_start_2:
0x49: {  	(tag) =	ssettag $0x2  }
0x4a: {  	s0 =	rddreg [dreg:$0x0];
	s2 =	stileid.u32  }
0x4b: {  	s1 =	rddreg [dreg:$0x1];
	p0 =	sne.s32 s2, $0x0  }
0x4c: {  	s3 =	rddreg [dreg:$0x2];
	[bflag:$0x3] =	sbarrier.arrive $0xFFFF;
	s2 =	simm.s32 @!p0 $0x1C01  }
0x4d: {  	[timem:s3], [sflag:s2] =	dma.local @!p0 [hbm:s0], s1  }
0x4e: {  	s0 =	simm.s32 @!p0 $0x1  }
0x4f: {  	_ =	swait.ge @!p0 [sflag:s0], s1  }
0x50: {  	s1 =	ssub.s32 @!p0 $0x0, s1;
	[sflag:s0] =	ssyncset.done @!p0 $0x0  }
0x51: {  	[sflag:s0] =	ssyncadd.s32 @!p0 s1  }
0x52: {  	[bflag:$0x3] =	sbarrier.arrive $0xFFFF  }
0x53: {  	_ =	shalt  }

</sc_bundles>
